<compile_context>
chip_gen: v7x
topology: tpu7x:2x2x1
jax: 0.10.2.dev20260603
libtpu: 0.0.44.dev20260713+nightly
codegen_flags: <defaults>
</compile_context>

<pallas_src>
import functools

import jax
import jax.numpy as jnp
from jax import lax
from jax.experimental import pallas as pl
from jax.experimental.pallas import tpu as pltpu
from jax.experimental.pallas import tpu_sc as plsc


_NC, _NS = 2, 16
_NW = _NC * _NS
_CH = 16


def _sc_body(g_hbm, z_hbm, o_hbm, zbuf, gbuf0, gbuf1,
             sem_z, sem_r0, sem_r1, sem_w0, sem_w1):
    wid = lax.axis_index("s") * _NC + lax.axis_index("c")
    rows_per_w = g_hbm.shape[0] // _NW
    nch = rows_per_w // _CH
    base = wid * rows_per_w

    pltpu.sync_copy(z_hbm, zbuf)
    zcopies = []
    for d in (0, 1, 3):
        for c in range(nch):
            cp = pltpu.make_async_copy(
                zbuf, o_hbm.at[d, pl.ds(base + c * _CH, _CH), :], sem_z)
            cp.start()
            zcopies.append(cp)

    gb = (gbuf0, gbuf1)
    sr = (sem_r0, sem_r1)
    sw = (sem_w0, sem_w1)
    reads, writes = [], []
    for c in range(nch):
        b = c & 1
        reads.append(pltpu.make_async_copy(
            g_hbm.at[pl.ds(base + c * _CH, _CH), :], gb[b], sr[b]))
        writes.append(pltpu.make_async_copy(
            gb[b], o_hbm.at[2, pl.ds(base + c * _CH, _CH), :], sw[b]))
    reads[0].start()
    for c in range(nch):
        if c + 1 < nch:
            if c >= 1:
                writes[c - 1].wait()
            reads[c + 1].start()
        reads[c].wait()
        writes[c].start()
    writes[nch - 2].wait()
    writes[nch - 1].wait()
    for cp in zcopies:
        cp.wait()


def kernel(grad_output, input_sizes, dim, index):
    del input_sizes, dim, index
    rows, cols = grad_output.shape
    zsrc = jnp.zeros((_CH, cols), grad_output.dtype)
    mesh = plsc.VectorSubcoreMesh(core_axis_name="c", subcore_axis_name="s")
    run = functools.partial(
        pl.kernel,
        out_type=jax.ShapeDtypeStruct((4, rows, cols), grad_output.dtype),
        mesh=mesh,
        scratch_types=[
            pltpu.MemorySpace.VMEM((_CH, cols), grad_output.dtype),
            pltpu.MemorySpace.VMEM((_CH, cols), grad_output.dtype),
            pltpu.MemorySpace.VMEM((_CH, cols), grad_output.dtype),
            pltpu.SemaphoreType.DMA,
            pltpu.SemaphoreType.DMA,
            pltpu.SemaphoreType.DMA,
            pltpu.SemaphoreType.DMA,
            pltpu.SemaphoreType.DMA,
        ],
    )(_sc_body)
    return run(grad_output, zsrc)

# --- scband reference (transcript-rebuilt; emitter-appended) ---
"""Pipeline reference for scband-torch-ops-aten-select-backward-module-53987738910949 (READ-ONLY COPY).

The authoritative reference and input builder live on the scoring server;
editing this copy changes nothing except your own understanding.
"""

import jax, jax.numpy as jnp
import numpy as np


def setup_inputs(seed: int = 0) -> dict:
    key = jax.random.key(seed)
    grad_output = jax.random.normal(key, (4096, 2048), dtype=jnp.float32)
    # select_backward metadata: original input sizes, select dim and index
    input_sizes = np.array([4, 4096, 2048], dtype=np.int64)
    return {
        "grad_output": grad_output,
        "input_sizes": input_sizes,
        "dim": 0,
        "index": 2,
    }


def reference(grad_output, input_sizes, dim, index):
    # Faithful translation of torch.ops.aten.select_backward:
    # out = zeros(input_sizes); out.select(dim, index).copy_(grad_output)
    sizes = (4,) + grad_output.shape
    out = jnp.zeros(sizes, dtype=grad_output.dtype)
    idx = jnp.asarray(index) + 0 * jnp.asarray(dim) + 0 * jnp.sum(jnp.asarray(input_sizes))
    out = out.at[idx].set(grad_output)
    return out

if __name__ == "__main__":
    import jax
    _d = setup_inputs()
    print(jax.jit(kernel)(*tuple(_d.values())))

</pallas_src>

<mosaic_0001>
#map = affine_map<(d0, d1) -> (0, 0)>
#map1 = affine_map<(d0, d1) -> (0, 0, 0)>
module attributes {stable_mosaic.version = 14 : i64} {
  func.func @_sc_body(%arg0: i32, %arg1: i32, %arg2: memref<4096x2048xf32, #tpu.memory_space<hbm>>, %arg3: memref<16x2048xf32, #tpu.memory_space<hbm>>, %arg4: memref<4x4096x2048xf32, #tpu.memory_space<hbm>>, %arg5: memref<16x2048xf32, #tpu.memory_space<vmem>>, %arg6: memref<16x2048xf32, #tpu.memory_space<vmem>>, %arg7: memref<16x2048xf32, #tpu.memory_space<vmem>>, %arg8: memref<!tpu.dma_semaphore, #tpu.memory_space<semaphore_mem>>, %arg9: memref<!tpu.dma_semaphore, #tpu.memory_space<semaphore_mem>>, %arg10: memref<!tpu.dma_semaphore, #tpu.memory_space<semaphore_mem>>, %arg11: memref<!tpu.dma_semaphore, #tpu.memory_space<semaphore_mem>>, %arg12: memref<!tpu.dma_semaphore, #tpu.memory_space<semaphore_mem>>) attributes {dimension_semantics = [#tpu.dimension_semantics<core_parallel>, #tpu.dimension_semantics<subcore_parallel>], iteration_bounds = array<i64: 2, 16>, scalar_prefetch = 0 : i64, scratch_operands = 8 : i64, tpu.core_type = #tpu.core_type<sc_vector_subcore>, window_params = [{transform_indices = #map}, {transform_indices = #map}, {transform_indices = #map1}]} {
    %mul3A = arith.constant 2 : i32
    %mul3A_0 = arith.muli %arg1, %mul3A : i32
    %add3A = arith.addi %mul3A_0, %arg0 : i32
    %mul3A_1 = arith.constant 128 : i32
    %mul3A_2 = arith.muli %add3A, %mul3A_1 : i32
    "tpu.region"() ({
      %run_scoped3A = tpu.sem_alloc : memref<!tpu.dma_semaphore, #tpu.memory_space<semaphore_mem>>
      tpu.enqueue_dma source(%arg3 : memref<16x2048xf32, #tpu.memory_space<hbm>>) target(%arg5 : memref<16x2048xf32, #tpu.memory_space<vmem>>) target_semaphore(%run_scoped3A : memref<!tpu.dma_semaphore, #tpu.memory_space<semaphore_mem>>)
      tpu.wait_dma2 semaphore(%run_scoped3A : memref<!tpu.dma_semaphore, #tpu.memory_space<semaphore_mem>>) src(%arg3 : memref<16x2048xf32, #tpu.memory_space<hbm>>) dst(%arg5 : memref<16x2048xf32, #tpu.memory_space<vmem>>)
      tpu.yield
    }) : () -> ()
    %add3A_3 = arith.constant 0 : i32
    %add3A_4 = arith.addi %mul3A_2, %add3A_3 : i32
    %dma_start3A = arith.constant 0 : i32
    %dma_start3A_5 = arith.constant 0 : i32
    %dma_start3A_6 = tpu.memref_slice %arg4[%dma_start3A, %add3A_4, %dma_start3A_5] : memref<4x4096x2048xf32, #tpu.memory_space<hbm>> -> memref<1x16x2048xf32, #tpu.memory_space<hbm>>
    %dma_start3A_7 = tpu.memref_squeeze %dma_start3A_6 : memref<1x16x2048xf32, #tpu.memory_space<hbm>> -> memref<16x2048xf32, #tpu.memory_space<hbm>>
    %dma_start3A_8 = arith.constant 0 : i32
    %dma_start3A_9 = tpu.memref_slice %arg4[%dma_start3A, %add3A_4, %dma_start3A_8] : memref<4x4096x2048xf32, #tpu.memory_space<hbm>> -> memref<1x16x2048xf32, #tpu.memory_space<hbm>>
    %dma_start3A_10 = tpu.memref_squeeze %dma_start3A_9 : memref<1x16x2048xf32, #tpu.memory_space<hbm>> -> memref<16x2048xf32, #tpu.memory_space<hbm>>
    tpu.enqueue_dma source(%arg5 : memref<16x2048xf32, #tpu.memory_space<vmem>>) target(%dma_start3A_10 : memref<16x2048xf32, #tpu.memory_space<hbm>>) target_semaphore(%arg8 : memref<!tpu.dma_semaphore, #tpu.memory_space<semaphore_mem>>)
    %add3A_11 = arith.constant 16 : i32
    %add3A_12 = arith.addi %mul3A_2, %add3A_11 : i32
    %dma_start3A_13 = arith.constant 0 : i32
    %dma_start3A_14 = arith.constant 0 : i32
    %dma_start3A_15 = tpu.memref_slice %arg4[%dma_start3A_13, %add3A_12, %dma_start3A_14] : memref<4x4096x2048xf32, #tpu.memory_space<hbm>> -> memref<1x16x2048xf32, #tpu.memory_space<hbm>>
    %dma_start3A_16 = tpu.memref_squeeze %dma_start3A_15 : memref<1x16x2048xf32, #tpu.memory_space<hbm>> -> memref<16x2048xf32, #tpu.memory_space<hbm>>
    %dma_start3A_17 = arith.constant 0 : i32
    %dma_start3A_18 = tpu.memref_slice %arg4[%dma_start3A_13, %add3A_12, %dma_start3A_17] : memref<4x4096x2048xf32, #tpu.memory_space<hbm>> -> memref<1x16x2048xf32, #tpu.memory_space<hbm>>
    %dma_start3A_19 = tpu.memref_squeeze %dma_start3A_18 : memref<1x16x2048xf32, #tpu.memory_space<hbm>> -> memref<16x2048xf32, #tpu.memory_space<hbm>>
    tpu.enqueue_dma source(%arg5 : memref<16x2048xf32, #tpu.memory_space<vmem>>) target(%dma_start3A_19 : memref<16x2048xf32, #tpu.memory_space<hbm>>) target_semaphore(%arg8 : memref<!tpu.dma_semaphore, #tpu.memory_space<semaphore_mem>>)
    %add3A_20 = arith.constant 32 : i32
    %add3A_21 = arith.addi %mul3A_2, %add3A_20 : i32
    %dma_start3A_22 = arith.constant 0 : i32
    %dma_start3A_23 = arith.constant 0 : i32
    %dma_start3A_24 = tpu.memref_slice %arg4[%dma_start3A_22, %add3A_21, %dma_start3A_23] : memref<4x4096x2048xf32, #tpu.memory_space<hbm>> -> memref<1x16x2048xf32, #tpu.memory_space<hbm>>
    %dma_start3A_25 = tpu.memref_squeeze %dma_start3A_24 : memref<1x16x2048xf32, #tpu.memory_space<hbm>> -> memref<16x2048xf32, #tpu.memory_space<hbm>>
    %dma_start3A_26 = arith.constant 0 : i32
    %dma_start3A_27 = tpu.memref_slice %arg4[%dma_start3A_22, %add3A_21, %dma_start3A_26] : memref<4x4096x2048xf32, #tpu.memory_space<hbm>> -> memref<1x16x2048xf32, #tpu.memory_space<hbm>>
    %dma_start3A_28 = tpu.memref_squeeze %dma_start3A_27 : memref<1x16x2048xf32, #tpu.memory_space<hbm>> -> memref<16x2048xf32, #tpu.memory_space<hbm>>
    tpu.enqueue_dma source(%arg5 : memref<16x2048xf32, #tpu.memory_space<vmem>>) target(%dma_start3A_28 : memref<16x2048xf32, #tpu.memory_space<hbm>>) target_semaphore(%arg8 : memref<!tpu.dma_semaphore, #tpu.memory_space<semaphore_mem>>)
    %add3A_29 = arith.constant 48 : i32
    %add3A_30 = arith.addi %mul3A_2, %add3A_29 : i32
    %dma_start3A_31 = arith.constant 0 : i32
    %dma_start3A_32 = arith.constant 0 : i32
    %dma_start3A_33 = tpu.memref_slice %arg4[%dma_start3A_31, %add3A_30, %dma_start3A_32] : memref<4x4096x2048xf32, #tpu.memory_space<hbm>> -> memref<1x16x2048xf32, #tpu.memory_space<hbm>>
    %dma_start3A_34 = tpu.memref_squeeze %dma_start3A_33 : memref<1x16x2048xf32, #tpu.memory_space<hbm>> -> memref<16x2048xf32, #tpu.memory_space<hbm>>
    %dma_start3A_35 = arith.constant 0 : i32
    %dma_start3A_36 = tpu.memref_slice %arg4[%dma_start3A_31, %add3A_30, %dma_start3A_35] : memref<4x4096x2048xf32, #tpu.memory_space<hbm>> -> memref<1x16x2048xf32, #tpu.memory_space<hbm>>
    %dma_start3A_37 = tpu.memref_squeeze %dma_start3A_36 : memref<1x16x2048xf32, #tpu.memory_space<hbm>> -> memref<16x2048xf32, #tpu.memory_space<hbm>>
    tpu.enqueue_dma source(%arg5 : memref<16x2048xf32, #tpu.memory_space<vmem>>) target(%dma_start3A_37 : memref<16x2048xf32, #tpu.memory_space<hbm>>) target_semaphore(%arg8 : memref<!tpu.dma_semaphore, #tpu.memory_space<semaphore_mem>>)
    %add3A_38 = arith.constant 64 : i32
    %add3A_39 = arith.addi %mul3A_2, %add3A_38 : i32
    %dma_start3A_40 = arith.constant 0 : i32
    %dma_start3A_41 = arith.constant 0 : i32
    %dma_start3A_42 = tpu.memref_slice %arg4[%dma_start3A_40, %add3A_39, %dma_start3A_41] : memref<4x4096x2048xf32, #tpu.memory_space<hbm>> -> memref<1x16x2048xf32, #tpu.memory_space<hbm>>
    %dma_start3A_43 = tpu.memref_squeeze %dma_start3A_42 : memref<1x16x2048xf32, #tpu.memory_space<hbm>> -> memref<16x2048xf32, #tpu.memory_space<hbm>>
    %dma_start3A_44 = arith.constant 0 : i32
    %dma_start3A_45 = tpu.memref_slice %arg4[%dma_start3A_40, %add3A_39, %dma_start3A_44] : memref<4x4096x2048xf32, #tpu.memory_space<hbm>> -> memref<1x16x2048xf32, #tpu.memory_space<hbm>>
    %dma_start3A_46 = tpu.memref_squeeze %dma_start3A_45 : memref<1x16x2048xf32, #tpu.memory_space<hbm>> -> memref<16x2048xf32, #tpu.memory_space<hbm>>
    tpu.enqueue_dma source(%arg5 : memref<16x2048xf32, #tpu.memory_space<vmem>>) target(%dma_start3A_46 : memref<16x2048xf32, #tpu.memory_space<hbm>>) target_semaphore(%arg8 : memref<!tpu.dma_semaphore, #tpu.memory_space<semaphore_mem>>)
    %add3A_47 = arith.constant 80 : i32
    %add3A_48 = arith.addi %mul3A_2, %add3A_47 : i32
    %dma_start3A_49 = arith.constant 0 : i32
    %dma_start3A_50 = arith.constant 0 : i32
    %dma_start3A_51 = tpu.memref_slice %arg4[%dma_start3A_49, %add3A_48, %dma_start3A_50] : memref<4x4096x2048xf32, #tpu.memory_space<hbm>> -> memref<1x16x2048xf32, #tpu.memory_space<hbm>>
    %dma_start3A_52 = tpu.memref_squeeze %dma_start3A_51 : memref<1x16x2048xf32, #tpu.memory_space<hbm>> -> memref<16x2048xf32, #tpu.memory_space<hbm>>
    %dma_start3A_53 = arith.constant 0 : i32
    %dma_start3A_54 = tpu.memref_slice %arg4[%dma_start3A_49, %add3A_48, %dma_start3A_53] : memref<4x4096x2048xf32, #tpu.memory_space<hbm>> -> memref<1x16x2048xf32, #tpu.memory_space<hbm>>
    %dma_start3A_55 = tpu.memref_squeeze %dma_start3A_54 : memref<1x16x2048xf32, #tpu.memory_space<hbm>> -> memref<16x2048xf32, #tpu.memory_space<hbm>>
    tpu.enqueue_dma source(%arg5 : memref<16x2048xf32, #tpu.memory_space<vmem>>) target(%dma_start3A_55 : memref<16x2048xf32, #tpu.memory_space<hbm>>) target_semaphore(%arg8 : memref<!tpu.dma_semaphore, #tpu.memory_space<semaphore_mem>>)
    %add3A_56 = arith.constant 96 : i32
    %add3A_57 = arith.addi %mul3A_2, %add3A_56 : i32
    %dma_start3A_58 = arith.constant 0 : i32
    %dma_start3A_59 = arith.constant 0 : i32
    %dma_start3A_60 = tpu.memref_slice %arg4[%dma_start3A_58, %add3A_57, %dma_start3A_59] : memref<4x4096x2048xf32, #tpu.memory_space<hbm>> -> memref<1x16x2048xf32, #tpu.memory_space<hbm>>
    %dma_start3A_61 = tpu.memref_squeeze %dma_start3A_60 : memref<1x16x2048xf32, #tpu.memory_space<hbm>> -> memref<16x2048xf32, #tpu.memory_space<hbm>>
    %dma_start3A_62 = arith.constant 0 : i32
    %dma_start3A_63 = tpu.memref_slice %arg4[%dma_start3A_58, %add3A_57, %dma_start3A_62] : memref<4x4096x2048xf32, #tpu.memory_space<hbm>> -> memref<1x16x2048xf32, #tpu.memory_space<hbm>>
    %dma_start3A_64 = tpu.memref_squeeze %dma_start3A_63 : memref<1x16x2048xf32, #tpu.memory_space<hbm>> -> memref<16x2048xf32, #tpu.memory_space<hbm>>
    tpu.enqueue_dma source(%arg5 : memref<16x2048xf32, #tpu.memory_space<vmem>>) target(%dma_start3A_64 : memref<16x2048xf32, #tpu.memory_space<hbm>>) target_semaphore(%arg8 : memref<!tpu.dma_semaphore, #tpu.memory_space<semaphore_mem>>)
    %add3A_65 = arith.constant 112 : i32
    %add3A_66 = arith.addi %mul3A_2, %add3A_65 : i32
    %dma_start3A_67 = arith.constant 0 : i32
    %dma_start3A_68 = arith.constant 0 : i32
    %dma_start3A_69 = tpu.memref_slice %arg4[%dma_start3A_67, %add3A_66, %dma_start3A_68] : memref<4x4096x2048xf32, #tpu.memory_space<hbm>> -> memref<1x16x2048xf32, #tpu.memory_space<hbm>>
    %dma_start3A_70 = tpu.memref_squeeze %dma_start3A_69 : memref<1x16x2048xf32, #tpu.memory_space<hbm>> -> memref<16x2048xf32, #tpu.memory_space<hbm>>
    %dma_start3A_71 = arith.constant 0 : i32
    %dma_start3A_72 = tpu.memref_slice %arg4[%dma_start3A_67, %add3A_66, %dma_start3A_71] : memref<4x4096x2048xf32, #tpu.memory_space<hbm>> -> memref<1x16x2048xf32, #tpu.memory_space<hbm>>
    %dma_start3A_73 = tpu.memref_squeeze %dma_start3A_72 : memref<1x16x2048xf32, #tpu.memory_space<hbm>> -> memref<16x2048xf32, #tpu.memory_space<hbm>>
    tpu.enqueue_dma source(%arg5 : memref<16x2048xf32, #tpu.memory_space<vmem>>) target(%dma_start3A_73 : memref<16x2048xf32, #tpu.memory_space<hbm>>) target_semaphore(%arg8 : memref<!tpu.dma_semaphore, #tpu.memory_space<semaphore_mem>>)
    %add3A_74 = arith.constant 0 : i32
    %add3A_75 = arith.addi %mul3A_2, %add3A_74 : i32
    %dma_start3A_76 = arith.constant 1 : i32
    %dma_start3A_77 = arith.constant 0 : i32
    %dma_start3A_78 = tpu.memref_slice %arg4[%dma_start3A_76, %add3A_75, %dma_start3A_77] : memref<4x4096x2048xf32, #tpu.memory_space<hbm>> -> memref<1x16x2048xf32, #tpu.memory_space<hbm>>
    %dma_start3A_79 = tpu.memref_squeeze %dma_start3A_78 : memref<1x16x2048xf32, #tpu.memory_space<hbm>> -> memref<16x2048xf32, #tpu.memory_space<hbm>>
    %dma_start3A_80 = arith.constant 0 : i32
    %dma_start3A_81 = tpu.memref_slice %arg4[%dma_start3A_76, %add3A_75, %dma_start3A_80] : memref<4x4096x2048xf32, #tpu.memory_space<hbm>> -> memref<1x16x2048xf32, #tpu.memory_space<hbm>>
    %dma_start3A_82 = tpu.memref_squeeze %dma_start3A_81 : memref<1x16x2048xf32, #tpu.memory_space<hbm>> -> memref<16x2048xf32, #tpu.memory_space<hbm>>
    tpu.enqueue_dma source(%arg5 : memref<16x2048xf32, #tpu.memory_space<vmem>>) target(%dma_start3A_82 : memref<16x2048xf32, #tpu.memory_space<hbm>>) target_semaphore(%arg8 : memref<!tpu.dma_semaphore, #tpu.memory_space<semaphore_mem>>)
    %add3A_83 = arith.constant 16 : i32
    %add3A_84 = arith.addi %mul3A_2, %add3A_83 : i32
    %dma_start3A_85 = arith.constant 1 : i32
    %dma_start3A_86 = arith.constant 0 : i32
    %dma_start3A_87 = tpu.memref_slice %arg4[%dma_start3A_85, %add3A_84, %dma_start3A_86] : memref<4x4096x2048xf32, #tpu.memory_space<hbm>> -> memref<1x16x2048xf32, #tpu.memory_space<hbm>>
    %dma_start3A_88 = tpu.memref_squeeze %dma_start3A_87 : memref<1x16x2048xf32, #tpu.memory_space<hbm>> -> memref<16x2048xf32, #tpu.memory_space<hbm>>
    %dma_start3A_89 = arith.constant 0 : i32
    %dma_start3A_90 = tpu.memref_slice %arg4[%dma_start3A_85, %add3A_84, %dma_start3A_89] : memref<4x4096x2048xf32, #tpu.memory_space<hbm>> -> memref<1x16x2048xf32, #tpu.memory_space<hbm>>
    %dma_start3A_91 = tpu.memref_squeeze %dma_start3A_90 : memref<1x16x2048xf32, #tpu.memory_space<hbm>> -> memref<16x2048xf32, #tpu.memory_space<hbm>>
    tpu.enqueue_dma source(%arg5 : memref<16x2048xf32, #tpu.memory_space<vmem>>) target(%dma_start3A_91 : memref<16x2048xf32, #tpu.memory_space<hbm>>) target_semaphore(%arg8 : memref<!tpu.dma_semaphore, #tpu.memory_space<semaphore_mem>>)
    %add3A_92 = arith.constant 32 : i32
    %add3A_93 = arith.addi %mul3A_2, %add3A_92 : i32
    %dma_start3A_94 = arith.constant 1 : i32
    %dma_start3A_95 = arith.constant 0 : i32
    %dma_start3A_96 = tpu.memref_slice %arg4[%dma_start3A_94, %add3A_93, %dma_start3A_95] : memref<4x4096x2048xf32, #tpu.memory_space<hbm>> -> memref<1x16x2048xf32, #tpu.memory_space<hbm>>
    %dma_start3A_97 = tpu.memref_squeeze %dma_start3A_96 : memref<1x16x2048xf32, #tpu.memory_space<hbm>> -> memref<16x2048xf32, #tpu.memory_space<hbm>>
    %dma_start3A_98 = arith.constant 0 : i32
    %dma_start3A_99 = tpu.memref_slice %arg4[%dma_start3A_94, %add3A_93, %dma_start3A_98] : memref<4x4096x2048xf32, #tpu.memory_space<hbm>> -> memref<1x16x2048xf32, #tpu.memory_space<hbm>>
    %dma_start3A_100 = tpu.memref_squeeze %dma_start3A_99 : memref<1x16x2048xf32, #tpu.memory_space<hbm>> -> memref<16x2048xf32, #tpu.memory_space<hbm>>
    tpu.enqueue_dma source(%arg5 : memref<16x2048xf32, #tpu.memory_space<vmem>>) target(%dma_start3A_100 : memref<16x2048xf32, #tpu.memory_space<hbm>>) target_semaphore(%arg8 : memref<!tpu.dma_semaphore, #tpu.memory_space<semaphore_mem>>)
    %add3A_101 = arith.constant 48 : i32
    %add3A_102 = arith.addi %mul3A_2, %add3A_101 : i32
    %dma_start3A_103 = arith.constant 1 : i32
    %dma_start3A_104 = arith.constant 0 : i32
    %dma_start3A_105 = tpu.memref_slice %arg4[%dma_start3A_103, %add3A_102, %dma_start3A_104] : memref<4x4096x2048xf32, #tpu.memory_space<hbm>> -> memref<1x16x2048xf32, #tpu.memory_space<hbm>>
    %dma_start3A_106 = tpu.memref_squeeze %dma_start3A_105 : memref<1x16x2048xf32, #tpu.memory_space<hbm>> -> memref<16x2048xf32, #tpu.memory_space<hbm>>
    %dma_start3A_107 = arith.constant 0 : i32
    %dma_start3A_108 = tpu.memref_slice %arg4[%dma_start3A_103, %add3A_102, %dma_start3A_107] : memref<4x4096x2048xf32, #tpu.memory_space<hbm>> -> memref<1x16x2048xf32, #tpu.memory_space<hbm>>
    %dma_start3A_109 = tpu.memref_squeeze %dma_start3A_108 : memref<1x16x2048xf32, #tpu.memory_space<hbm>> -> memref<16x2048xf32, #tpu.memory_space<hbm>>
    tpu.enqueue_dma source(%arg5 : memref<16x2048xf32, #tpu.memory_space<vmem>>) target(%dma_start3A_109 : memref<16x2048xf32, #tpu.memory_space<hbm>>) target_semaphore(%arg8 : memref<!tpu.dma_semaphore, #tpu.memory_space<semaphore_mem>>)
    %add3A_110 = arith.constant 64 : i32
    %add3A_111 = arith.addi %mul3A_2, %add3A_110 : i32
    %dma_start3A_112 = arith.constant 1 : i32
    %dma_start3A_113 = arith.constant 0 : i32
    %dma_start3A_114 = tpu.memref_slice %arg4[%dma_start3A_112, %add3A_111, %dma_start3A_113] : memref<4x4096x2048xf32, #tpu.memory_space<hbm>> -> memref<1x16x2048xf32, #tpu.memory_space<hbm>>
    %dma_start3A_115 = tpu.memref_squeeze %dma_start3A_114 : memref<1x16x2048xf32, #tpu.memory_space<hbm>> -> memref<16x2048xf32, #tpu.memory_space<hbm>>
    %dma_start3A_116 = arith.constant 0 : i32
    %dma_start3A_117 = tpu.memref_slice %arg4[%dma_start3A_112, %add3A_111, %dma_start3A_116] : memref<4x4096x2048xf32, #tpu.memory_space<hbm>> -> memref<1x16x2048xf32, #tpu.memory_space<hbm>>
    %dma_start3A_118 = tpu.memref_squeeze %dma_start3A_117 : memref<1x16x2048xf32, #tpu.memory_space<hbm>> -> memref<16x2048xf32, #tpu.memory_space<hbm>>
    tpu.enqueue_dma source(%arg5 : memref<16x2048xf32, #tpu.memory_space<vmem>>) target(%dma_start3A_118 : memref<16x2048xf32, #tpu.memory_space<hbm>>) target_semaphore(%arg8 : memref<!tpu.dma_semaphore, #tpu.memory_space<semaphore_mem>>)
    %add3A_119 = arith.constant 80 : i32
    %add3A_120 = arith.addi %mul3A_2, %add3A_119 : i32
    %dma_start3A_121 = arith.constant 1 : i32
    %dma_start3A_122 = arith.constant 0 : i32
    %dma_start3A_123 = tpu.memref_slice %arg4[%dma_start3A_121, %add3A_120, %dma_start3A_122] : memref<4x4096x2048xf32, #tpu.memory_space<hbm>> -> memref<1x16x2048xf32, #tpu.memory_space<hbm>>
    %dma_start3A_124 = tpu.memref_squeeze %dma_start3A_123 : memref<1x16x2048xf32, #tpu.memory_space<hbm>> -> memref<16x2048xf32, #tpu.memory_space<hbm>>
    %dma_start3A_125 = arith.constant 0 : i32
    %dma_start3A_126 = tpu.memref_slice %arg4[%dma_start3A_121, %add3A_120, %dma_start3A_125] : memref<4x4096x2048xf32, #tpu.memory_space<hbm>> -> memref<1x16x2048xf32, #tpu.memory_space<hbm>>
    %dma_start3A_127 = tpu.memref_squeeze %dma_start3A_126 : memref<1x16x2048xf32, #tpu.memory_space<hbm>> -> memref<16x2048xf32, #tpu.memory_space<hbm>>
    tpu.enqueue_dma source(%arg5 : memref<16x2048xf32, #tpu.memory_space<vmem>>) target(%dma_start3A_127 : memref<16x2048xf32, #tpu.memory_space<hbm>>) target_semaphore(%arg8 : memref<!tpu.dma_semaphore, #tpu.memory_space<semaphore_mem>>)
    %add3A_128 = arith.constant 96 : i32
    %add3A_129 = arith.addi %mul3A_2, %add3A_128 : i32
    %dma_start3A_130 = arith.constant 1 : i32
    %dma_start3A_131 = arith.constant 0 : i32
    %dma_start3A_132 = tpu.memref_slice %arg4[%dma_start3A_130, %add3A_129, %dma_start3A_131] : memref<4x4096x2048xf32, #tpu.memory_space<hbm>> -> memref<1x16x2048xf32, #tpu.memory_space<hbm>>
    %dma_start3A_133 = tpu.memref_squeeze %dma_start3A_132 : memref<1x16x2048xf32, #tpu.memory_space<hbm>> -> memref<16x2048xf32, #tpu.memory_space<hbm>>
    %dma_start3A_134 = arith.constant 0 : i32
    %dma_start3A_135 = tpu.memref_slice %arg4[%dma_start3A_130, %add3A_129, %dma_start3A_134] : memref<4x4096x2048xf32, #tpu.memory_space<hbm>> -> memref<1x16x2048xf32, #tpu.memory_space<hbm>>
    %dma_start3A_136 = tpu.memref_squeeze %dma_start3A_135 : memref<1x16x2048xf32, #tpu.memory_space<hbm>> -> memref<16x2048xf32, #tpu.memory_space<hbm>>
    tpu.enqueue_dma source(%arg5 : memref<16x2048xf32, #tpu.memory_space<vmem>>) target(%dma_start3A_136 : memref<16x2048xf32, #tpu.memory_space<hbm>>) target_semaphore(%arg8 : memref<!tpu.dma_semaphore, #tpu.memory_space<semaphore_mem>>)
    %add3A_137 = arith.constant 112 : i32
    %add3A_138 = arith.addi %mul3A_2, %add3A_137 : i32
    %dma_start3A_139 = arith.constant 1 : i32
    %dma_start3A_140 = arith.constant 0 : i32
    %dma_start3A_141 = tpu.memref_slice %arg4[%dma_start3A_139, %add3A_138, %dma_start3A_140] : memref<4x4096x2048xf32, #tpu.memory_space<hbm>> -> memref<1x16x2048xf32, #tpu.memory_space<hbm>>
    %dma_start3A_142 = tpu.memref_squeeze %dma_start3A_141 : memref<1x16x2048xf32, #tpu.memory_space<hbm>> -> memref<16x2048xf32, #tpu.memory_space<hbm>>
    %dma_start3A_143 = arith.constant 0 : i32
    %dma_start3A_144 = tpu.memref_slice %arg4[%dma_start3A_139, %add3A_138, %dma_start3A_143] : memref<4x4096x2048xf32, #tpu.memory_space<hbm>> -> memref<1x16x2048xf32, #tpu.memory_space<hbm>>
    %dma_start3A_145 = tpu.memref_squeeze %dma_start3A_144 : memref<1x16x2048xf32, #tpu.memory_space<hbm>> -> memref<16x2048xf32, #tpu.memory_space<hbm>>
    tpu.enqueue_dma source(%arg5 : memref<16x2048xf32, #tpu.memory_space<vmem>>) target(%dma_start3A_145 : memref<16x2048xf32, #tpu.memory_space<hbm>>) target_semaphore(%arg8 : memref<!tpu.dma_semaphore, #tpu.memory_space<semaphore_mem>>)
    %add3A_146 = arith.constant 0 : i32
    %add3A_147 = arith.addi %mul3A_2, %add3A_146 : i32
    %dma_start3A_148 = arith.constant 3 : i32
    %dma_start3A_149 = arith.constant 0 : i32
    %dma_start3A_150 = tpu.memref_slice %arg4[%dma_start3A_148, %add3A_147, %dma_start3A_149] : memref<4x4096x2048xf32, #tpu.memory_space<hbm>> -> memref<1x16x2048xf32, #tpu.memory_space<hbm>>
    %dma_start3A_151 = tpu.memref_squeeze %dma_start3A_150 : memref<1x16x2048xf32, #tpu.memory_space<hbm>> -> memref<16x2048xf32, #tpu.memory_space<hbm>>
    %dma_start3A_152 = arith.constant 0 : i32
    %dma_start3A_153 = tpu.memref_slice %arg4[%dma_start3A_148, %add3A_147, %dma_start3A_152] : memref<4x4096x2048xf32, #tpu.memory_space<hbm>> -> memref<1x16x2048xf32, #tpu.memory_space<hbm>>
    %dma_start3A_154 = tpu.memref_squeeze %dma_start3A_153 : memref<1x16x2048xf32, #tpu.memory_space<hbm>> -> memref<16x2048xf32, #tpu.memory_space<hbm>>
    tpu.enqueue_dma source(%arg5 : memref<16x2048xf32, #tpu.memory_space<vmem>>) target(%dma_start3A_154 : memref<16x2048xf32, #tpu.memory_space<hbm>>) target_semaphore(%arg8 : memref<!tpu.dma_semaphore, #tpu.memory_space<semaphore_mem>>)
    %add3A_155 = arith.constant 16 : i32
    %add3A_156 = arith.addi %mul3A_2, %add3A_155 : i32
    %dma_start3A_157 = arith.constant 3 : i32
    %dma_start3A_158 = arith.constant 0 : i32
    %dma_start3A_159 = tpu.memref_slice %arg4[%dma_start3A_157, %add3A_156, %dma_start3A_158] : memref<4x4096x2048xf32, #tpu.memory_space<hbm>> -> memref<1x16x2048xf32, #tpu.memory_space<hbm>>
    %dma_start3A_160 = tpu.memref_squeeze %dma_start3A_159 : memref<1x16x2048xf32, #tpu.memory_space<hbm>> -> memref<16x2048xf32, #tpu.memory_space<hbm>>
    %dma_start3A_161 = arith.constant 0 : i32
    %dma_start3A_162 = tpu.memref_slice %arg4[%dma_start3A_157, %add3A_156, %dma_start3A_161] : memref<4x4096x2048xf32, #tpu.memory_space<hbm>> -> memref<1x16x2048xf32, #tpu.memory_space<hbm>>
    %dma_start3A_163 = tpu.memref_squeeze %dma_start3A_162 : memref<1x16x2048xf32, #tpu.memory_space<hbm>> -> memref<16x2048xf32, #tpu.memory_space<hbm>>
    tpu.enqueue_dma source(%arg5 : memref<16x2048xf32, #tpu.memory_space<vmem>>) target(%dma_start3A_163 : memref<16x2048xf32, #tpu.memory_space<hbm>>) target_semaphore(%arg8 : memref<!tpu.dma_semaphore, #tpu.memory_space<semaphore_mem>>)
    %add3A_164 = arith.constant 32 : i32
    %add3A_165 = arith.addi %mul3A_2, %add3A_164 : i32
    %dma_start3A_166 = arith.constant 3 : i32
    %dma_start3A_167 = arith.constant 0 : i32
    %dma_start3A_168 = tpu.memref_slice %arg4[%dma_start3A_166, %add3A_165, %dma_start3A_167] : memref<4x4096x2048xf32, #tpu.memory_space<hbm>> -> memref<1x16x2048xf32, #tpu.memory_space<hbm>>
    %dma_start3A_169 = tpu.memref_squeeze %dma_start3A_168 : memref<1x16x2048xf32, #tpu.memory_space<hbm>> -> memref<16x2048xf32, #tpu.memory_space<hbm>>
    %dma_start3A_170 = arith.constant 0 : i32
    %dma_start3A_171 = tpu.memref_slice %arg4[%dma_start3A_166, %add3A_165, %dma_start3A_170] : memref<4x4096x2048xf32, #tpu.memory_space<hbm>> -> memref<1x16x2048xf32, #tpu.memory_space<hbm>>
    %dma_start3A_172 = tpu.memref_squeeze %dma_start3A_171 : memref<1x16x2048xf32, #tpu.memory_space<hbm>> -> memref<16x2048xf32, #tpu.memory_space<hbm>>
    tpu.enqueue_dma source(%arg5 : memref<16x2048xf32, #tpu.memory_space<vmem>>) target(%dma_start3A_172 : memref<16x2048xf32, #tpu.memory_space<hbm>>) target_semaphore(%arg8 : memref<!tpu.dma_semaphore, #tpu.memory_space<semaphore_mem>>)
    %add3A_173 = arith.constant 48 : i32
    %add3A_174 = arith.addi %mul3A_2, %add3A_173 : i32
    %dma_start3A_175 = arith.constant 3 : i32
    %dma_start3A_176 = arith.constant 0 : i32
    %dma_start3A_177 = tpu.memref_slice %arg4[%dma_start3A_175, %add3A_174, %dma_start3A_176] : memref<4x4096x2048xf32, #tpu.memory_space<hbm>> -> memref<1x16x2048xf32, #tpu.memory_space<hbm>>
    %dma_start3A_178 = tpu.memref_squeeze %dma_start3A_177 : memref<1x16x2048xf32, #tpu.memory_space<hbm>> -> memref<16x2048xf32, #tpu.memory_space<hbm>>
    %dma_start3A_179 = arith.constant 0 : i32
    %dma_start3A_180 = tpu.memref_slice %arg4[%dma_start3A_175, %add3A_174, %dma_start3A_179] : memref<4x4096x2048xf32, #tpu.memory_space<hbm>> -> memref<1x16x2048xf32, #tpu.memory_space<hbm>>
    %dma_start3A_181 = tpu.memref_squeeze %dma_start3A_180 : memref<1x16x2048xf32, #tpu.memory_space<hbm>> -> memref<16x2048xf32, #tpu.memory_space<hbm>>
    tpu.enqueue_dma source(%arg5 : memref<16x2048xf32, #tpu.memory_space<vmem>>) target(%dma_start3A_181 : memref<16x2048xf32, #tpu.memory_space<hbm>>) target_semaphore(%arg8 : memref<!tpu.dma_semaphore, #tpu.memory_space<semaphore_mem>>)
    %add3A_182 = arith.constant 64 : i32
    %add3A_183 = arith.addi %mul3A_2, %add3A_182 : i32
    %dma_start3A_184 = arith.constant 3 : i32
    %dma_start3A_185 = arith.constant 0 : i32
    %dma_start3A_186 = tpu.memref_slice %arg4[%dma_start3A_184, %add3A_183, %dma_start3A_185] : memref<4x4096x2048xf32, #tpu.memory_space<hbm>> -> memref<1x16x2048xf32, #tpu.memory_space<hbm>>
    %dma_start3A_187 = tpu.memref_squeeze %dma_start3A_186 : memref<1x16x2048xf32, #tpu.memory_space<hbm>> -> memref<16x2048xf32, #tpu.memory_space<hbm>>
    %dma_start3A_188 = arith.constant 0 : i32
    %dma_start3A_189 = tpu.memref_slice %arg4[%dma_start3A_184, %add3A_183, %dma_start3A_188] : memref<4x4096x2048xf32, #tpu.memory_space<hbm>> -> memref<1x16x2048xf32, #tpu.memory_space<hbm>>
    %dma_start3A_190 = tpu.memref_squeeze %dma_start3A_189 : memref<1x16x2048xf32, #tpu.memory_space<hbm>> -> memref<16x2048xf32, #tpu.memory_space<hbm>>
    tpu.enqueue_dma source(%arg5 : memref<16x2048xf32, #tpu.memory_space<vmem>>) target(%dma_start3A_190 : memref<16x2048xf32, #tpu.memory_space<hbm>>) target_semaphore(%arg8 : memref<!tpu.dma_semaphore, #tpu.memory_space<semaphore_mem>>)
    %add3A_191 = arith.constant 80 : i32
    %add3A_192 = arith.addi %mul3A_2, %add3A_191 : i32
    %dma_start3A_193 = arith.constant 3 : i32
    %dma_start3A_194 = arith.constant 0 : i32
    %dma_start3A_195 = tpu.memref_slice %arg4[%dma_start3A_193, %add3A_192, %dma_start3A_194] : memref<4x4096x2048xf32, #tpu.memory_space<hbm>> -> memref<1x16x2048xf32, #tpu.memory_space<hbm>>
    %dma_start3A_196 = tpu.memref_squeeze %dma_start3A_195 : memref<1x16x2048xf32, #tpu.memory_space<hbm>> -> memref<16x2048xf32, #tpu.memory_space<hbm>>
    %dma_start3A_197 = arith.constant 0 : i32
    %dma_start3A_198 = tpu.memref_slice %arg4[%dma_start3A_193, %add3A_192, %dma_start3A_197] : memref<4x4096x2048xf32, #tpu.memory_space<hbm>> -> memref<1x16x2048xf32, #tpu.memory_space<hbm>>
    %dma_start3A_199 = tpu.memref_squeeze %dma_start3A_198 : memref<1x16x2048xf32, #tpu.memory_space<hbm>> -> memref<16x2048xf32, #tpu.memory_space<hbm>>
    tpu.enqueue_dma source(%arg5 : memref<16x2048xf32, #tpu.memory_space<vmem>>) target(%dma_start3A_199 : memref<16x2048xf32, #tpu.memory_space<hbm>>) target_semaphore(%arg8 : memref<!tpu.dma_semaphore, #tpu.memory_space<semaphore_mem>>)
    %add3A_200 = arith.constant 96 : i32
    %add3A_201 = arith.addi %mul3A_2, %add3A_200 : i32
    %dma_start3A_202 = arith.constant 3 : i32
    %dma_start3A_203 = arith.constant 0 : i32
    %dma_start3A_204 = tpu.memref_slice %arg4[%dma_start3A_202, %add3A_201, %dma_start3A_203] : memref<4x4096x2048xf32, #tpu.memory_space<hbm>> -> memref<1x16x2048xf32, #tpu.memory_space<hbm>>
    %dma_start3A_205 = tpu.memref_squeeze %dma_start3A_204 : memref<1x16x2048xf32, #tpu.memory_space<hbm>> -> memref<16x2048xf32, #tpu.memory_space<hbm>>
    %dma_start3A_206 = arith.constant 0 : i32
    %dma_start3A_207 = tpu.memref_slice %arg4[%dma_start3A_202, %add3A_201, %dma_start3A_206] : memref<4x4096x2048xf32, #tpu.memory_space<hbm>> -> memref<1x16x2048xf32, #tpu.memory_space<hbm>>
    %dma_start3A_208 = tpu.memref_squeeze %dma_start3A_207 : memref<1x16x2048xf32, #tpu.memory_space<hbm>> -> memref<16x2048xf32, #tpu.memory_space<hbm>>
    tpu.enqueue_dma source(%arg5 : memref<16x2048xf32, #tpu.memory_space<vmem>>) target(%dma_start3A_208 : memref<16x2048xf32, #tpu.memory_space<hbm>>) target_semaphore(%arg8 : memref<!tpu.dma_semaphore, #tpu.memory_space<semaphore_mem>>)
    %add3A_209 = arith.constant 112 : i32
    %add3A_210 = arith.addi %mul3A_2, %add3A_209 : i32
    %dma_start3A_211 = arith.constant 3 : i32
    %dma_start3A_212 = arith.constant 0 : i32
    %dma_start3A_213 = tpu.memref_slice %arg4[%dma_start3A_211, %add3A_210, %dma_start3A_212] : memref<4x4096x2048xf32, #tpu.memory_space<hbm>> -> memref<1x16x2048xf32, #tpu.memory_space<hbm>>
    %dma_start3A_214 = tpu.memref_squeeze %dma_start3A_213 : memref<1x16x2048xf32, #tpu.memory_space<hbm>> -> memref<16x2048xf32, #tpu.memory_space<hbm>>
    %dma_start3A_215 = arith.constant 0 : i32
    %dma_start3A_216 = tpu.memref_slice %arg4[%dma_start3A_211, %add3A_210, %dma_start3A_215] : memref<4x4096x2048xf32, #tpu.memory_space<hbm>> -> memref<1x16x2048xf32, #tpu.memory_space<hbm>>
    %dma_start3A_217 = tpu.memref_squeeze %dma_start3A_216 : memref<1x16x2048xf32, #tpu.memory_space<hbm>> -> memref<16x2048xf32, #tpu.memory_space<hbm>>
    tpu.enqueue_dma source(%arg5 : memref<16x2048xf32, #tpu.memory_space<vmem>>) target(%dma_start3A_217 : memref<16x2048xf32, #tpu.memory_space<hbm>>) target_semaphore(%arg8 : memref<!tpu.dma_semaphore, #tpu.memory_space<semaphore_mem>>)
    %add3A_218 = arith.constant 0 : i32
    %add3A_219 = arith.addi %mul3A_2, %add3A_218 : i32
    %add3A_220 = arith.constant 0 : i32
    %add3A_221 = arith.addi %mul3A_2, %add3A_220 : i32
    %add3A_222 = arith.constant 16 : i32
    %add3A_223 = arith.addi %mul3A_2, %add3A_222 : i32
    %add3A_224 = arith.constant 16 : i32
    %add3A_225 = arith.addi %mul3A_2, %add3A_224 : i32
    %add3A_226 = arith.constant 32 : i32
    %add3A_227 = arith.addi %mul3A_2, %add3A_226 : i32
    %add3A_228 = arith.constant 32 : i32
    %add3A_229 = arith.addi %mul3A_2, %add3A_228 : i32
    %add3A_230 = arith.constant 48 : i32
    %add3A_231 = arith.addi %mul3A_2, %add3A_230 : i32
    %add3A_232 = arith.constant 48 : i32
    %add3A_233 = arith.addi %mul3A_2, %add3A_232 : i32
    %add3A_234 = arith.constant 64 : i32
    %add3A_235 = arith.addi %mul3A_2, %add3A_234 : i32
    %add3A_236 = arith.constant 64 : i32
    %add3A_237 = arith.addi %mul3A_2, %add3A_236 : i32
    %add3A_238 = arith.constant 80 : i32
    %add3A_239 = arith.addi %mul3A_2, %add3A_238 : i32
    %add3A_240 = arith.constant 80 : i32
    %add3A_241 = arith.addi %mul3A_2, %add3A_240 : i32
    %add3A_242 = arith.constant 96 : i32
    %add3A_243 = arith.addi %mul3A_2, %add3A_242 : i32
    %add3A_244 = arith.constant 96 : i32
    %add3A_245 = arith.addi %mul3A_2, %add3A_244 : i32
    %add3A_246 = arith.constant 112 : i32
    %add3A_247 = arith.addi %mul3A_2, %add3A_246 : i32
    %add3A_248 = arith.constant 112 : i32
    %add3A_249 = arith.addi %mul3A_2, %add3A_248 : i32
    %dma_start3A_250 = arith.constant 0 : i32
    %dma_start3A_251 = tpu.memref_slice %arg2[%add3A_219, %dma_start3A_250] : memref<4096x2048xf32, #tpu.memory_space<hbm>> -> memref<16x2048xf32, #tpu.memory_space<hbm>>
    %dma_start3A_252 = arith.constant 0 : i32
    %dma_start3A_253 = tpu.memref_slice %arg2[%add3A_219, %dma_start3A_252] : memref<4096x2048xf32, #tpu.memory_space<hbm>> -> memref<16x2048xf32, #tpu.memory_space<hbm>>
    tpu.enqueue_dma source(%dma_start3A_253 : memref<16x2048xf32, #tpu.memory_space<hbm>>) target(%arg6 : memref<16x2048xf32, #tpu.memory_space<vmem>>) target_semaphore(%arg9 : memref<!tpu.dma_semaphore, #tpu.memory_space<semaphore_mem>>)
    %dma_start3A_254 = arith.constant 0 : i32
    %dma_start3A_255 = tpu.memref_slice %arg2[%add3A_223, %dma_start3A_254] : memref<4096x2048xf32, #tpu.memory_space<hbm>> -> memref<16x2048xf32, #tpu.memory_space<hbm>>
    %dma_start3A_256 = arith.constant 0 : i32
    %dma_start3A_257 = tpu.memref_slice %arg2[%add3A_223, %dma_start3A_256] : memref<4096x2048xf32, #tpu.memory_space<hbm>> -> memref<16x2048xf32, #tpu.memory_space<hbm>>
    tpu.enqueue_dma source(%dma_start3A_257 : memref<16x2048xf32, #tpu.memory_space<hbm>>) target(%arg7 : memref<16x2048xf32, #tpu.memory_space<vmem>>) target_semaphore(%arg10 : memref<!tpu.dma_semaphore, #tpu.memory_space<semaphore_mem>>)
    %dma_wait3A = arith.constant 0 : i32
    %dma_wait3A_258 = tpu.memref_slice %arg2[%add3A_219, %dma_wait3A] : memref<4096x2048xf32, #tpu.memory_space<hbm>> -> memref<16x2048xf32, #tpu.memory_space<hbm>>
    %dma_wait3A_259 = arith.constant 0 : i32
    %dma_wait3A_260 = tpu.memref_slice %arg2[%add3A_219, %dma_wait3A_259] : memref<4096x2048xf32, #tpu.memory_space<hbm>> -> memref<16x2048xf32, #tpu.memory_space<hbm>>
    tpu.wait_dma2 semaphore(%arg9 : memref<!tpu.dma_semaphore, #tpu.memory_space<semaphore_mem>>) src(%dma_wait3A_260 : memref<16x2048xf32, #tpu.memory_space<hbm>>) dst(%arg6 : memref<16x2048xf32, #tpu.memory_space<vmem>>)
    %dma_start3A_261 = arith.constant 2 : i32
    %dma_start3A_262 = arith.constant 0 : i32
    %dma_start3A_263 = tpu.memref_slice %arg4[%dma_start3A_261, %add3A_221, %dma_start3A_262] : memref<4x4096x2048xf32, #tpu.memory_space<hbm>> -> memref<1x16x2048xf32, #tpu.memory_space<hbm>>
    %dma_start3A_264 = tpu.memref_squeeze %dma_start3A_263 : memref<1x16x2048xf32, #tpu.memory_space<hbm>> -> memref<16x2048xf32, #tpu.memory_space<hbm>>
    %dma_start3A_265 = arith.constant 0 : i32
    %dma_start3A_266 = tpu.memref_slice %arg4[%dma_start3A_261, %add3A_221, %dma_start3A_265] : memref<4x4096x2048xf32, #tpu.memory_space<hbm>> -> memref<1x16x2048xf32, #tpu.memory_space<hbm>>
    %dma_start3A_267 = tpu.memref_squeeze %dma_start3A_266 : memref<1x16x2048xf32, #tpu.memory_space<hbm>> -> memref<16x2048xf32, #tpu.memory_space<hbm>>
    tpu.enqueue_dma source(%arg6 : memref<16x2048xf32, #tpu.memory_space<vmem>>) target(%dma_start3A_267 : memref<16x2048xf32, #tpu.memory_space<hbm>>) target_semaphore(%arg11 : memref<!tpu.dma_semaphore, #tpu.memory_space<semaphore_mem>>)
    %dma_wait3A_268 = arith.constant 2 : i32
    %dma_wait3A_269 = arith.constant 0 : i32
    %dma_wait3A_270 = tpu.memref_slice %arg4[%dma_wait3A_268, %add3A_221, %dma_wait3A_269] : memref<4x4096x2048xf32, #tpu.memory_space<hbm>> -> memref<1x16x2048xf32, #tpu.memory_space<hbm>>
    %dma_wait3A_271 = tpu.memref_squeeze %dma_wait3A_270 : memref<1x16x2048xf32, #tpu.memory_space<hbm>> -> memref<16x2048xf32, #tpu.memory_space<hbm>>
    %dma_wait3A_272 = arith.constant 0 : i32
    %dma_wait3A_273 = tpu.memref_slice %arg4[%dma_wait3A_268, %add3A_221, %dma_wait3A_272] : memref<4x4096x2048xf32, #tpu.memory_space<hbm>> -> memref<1x16x2048xf32, #tpu.memory_space<hbm>>
    %dma_wait3A_274 = tpu.memref_squeeze %dma_wait3A_273 : memref<1x16x2048xf32, #tpu.memory_space<hbm>> -> memref<16x2048xf32, #tpu.memory_space<hbm>>
    tpu.wait_dma2 semaphore(%arg11 : memref<!tpu.dma_semaphore, #tpu.memory_space<semaphore_mem>>) src(%arg6 : memref<16x2048xf32, #tpu.memory_space<vmem>>) dst(%dma_wait3A_274 : memref<16x2048xf32, #tpu.memory_space<hbm>>)
    %dma_start3A_275 = arith.constant 0 : i32
    %dma_start3A_276 = tpu.memref_slice %arg2[%add3A_227, %dma_start3A_275] : memref<4096x2048xf32, #tpu.memory_space<hbm>> -> memref<16x2048xf32, #tpu.memory_space<hbm>>
    %dma_start3A_277 = arith.constant 0 : i32
    %dma_start3A_278 = tpu.memref_slice %arg2[%add3A_227, %dma_start3A_277] : memref<4096x2048xf32, #tpu.memory_space<hbm>> -> memref<16x2048xf32, #tpu.memory_space<hbm>>
    tpu.enqueue_dma source(%dma_start3A_278 : memref<16x2048xf32, #tpu.memory_space<hbm>>) target(%arg6 : memref<16x2048xf32, #tpu.memory_space<vmem>>) target_semaphore(%arg9 : memref<!tpu.dma_semaphore, #tpu.memory_space<semaphore_mem>>)
    %dma_wait3A_279 = arith.constant 0 : i32
    %dma_wait3A_280 = tpu.memref_slice %arg2[%add3A_223, %dma_wait3A_279] : memref<4096x2048xf32, #tpu.memory_space<hbm>> -> memref<16x2048xf32, #tpu.memory_space<hbm>>
    %dma_wait3A_281 = arith.constant 0 : i32
    %dma_wait3A_282 = tpu.memref_slice %arg2[%add3A_223, %dma_wait3A_281] : memref<4096x2048xf32, #tpu.memory_space<hbm>> -> memref<16x2048xf32, #tpu.memory_space<hbm>>
    tpu.wait_dma2 semaphore(%arg10 : memref<!tpu.dma_semaphore, #tpu.memory_space<semaphore_mem>>) src(%dma_wait3A_282 : memref<16x2048xf32, #tpu.memory_space<hbm>>) dst(%arg7 : memref<16x2048xf32, #tpu.memory_space<vmem>>)
    %dma_start3A_283 = arith.constant 2 : i32
    %dma_start3A_284 = arith.constant 0 : i32
    %dma_start3A_285 = tpu.memref_slice %arg4[%dma_start3A_283, %add3A_225, %dma_start3A_284] : memref<4x4096x2048xf32, #tpu.memory_space<hbm>> -> memref<1x16x2048xf32, #tpu.memory_space<hbm>>
    %dma_start3A_286 = tpu.memref_squeeze %dma_start3A_285 : memref<1x16x2048xf32, #tpu.memory_space<hbm>> -> memref<16x2048xf32, #tpu.memory_space<hbm>>
    %dma_start3A_287 = arith.constant 0 : i32
    %dma_start3A_288 = tpu.memref_slice %arg4[%dma_start3A_283, %add3A_225, %dma_start3A_287] : memref<4x4096x2048xf32, #tpu.memory_space<hbm>> -> memref<1x16x2048xf32, #tpu.memory_space<hbm>>
    %dma_start3A_289 = tpu.memref_squeeze %dma_start3A_288 : memref<1x16x2048xf32, #tpu.memory_space<hbm>> -> memref<16x2048xf32, #tpu.memory_space<hbm>>
    tpu.enqueue_dma source(%arg7 : memref<16x2048xf32, #tpu.memory_space<vmem>>) target(%dma_start3A_289 : memref<16x2048xf32, #tpu.memory_space<hbm>>) target_semaphore(%arg12 : memref<!tpu.dma_semaphore, #tpu.memory_space<semaphore_mem>>)
    %dma_wait3A_290 = arith.constant 2 : i32
    %dma_wait3A_291 = arith.constant 0 : i32
    %dma_wait3A_292 = tpu.memref_slice %arg4[%dma_wait3A_290, %add3A_225, %dma_wait3A_291] : memref<4x4096x2048xf32, #tpu.memory_space<hbm>> -> memref<1x16x2048xf32, #tpu.memory_space<hbm>>
    %dma_wait3A_293 = tpu.memref_squeeze %dma_wait3A_292 : memref<1x16x2048xf32, #tpu.memory_space<hbm>> -> memref<16x2048xf32, #tpu.memory_space<hbm>>
    %dma_wait3A_294 = arith.constant 0 : i32
    %dma_wait3A_295 = tpu.memref_slice %arg4[%dma_wait3A_290, %add3A_225, %dma_wait3A_294] : memref<4x4096x2048xf32, #tpu.memory_space<hbm>> -> memref<1x16x2048xf32, #tpu.memory_space<hbm>>
    %dma_wait3A_296 = tpu.memref_squeeze %dma_wait3A_295 : memref<1x16x2048xf32, #tpu.memory_space<hbm>> -> memref<16x2048xf32, #tpu.memory_space<hbm>>
    tpu.wait_dma2 semaphore(%arg12 : memref<!tpu.dma_semaphore, #tpu.memory_space<semaphore_mem>>) src(%arg7 : memref<16x2048xf32, #tpu.memory_space<vmem>>) dst(%dma_wait3A_296 : memref<16x2048xf32, #tpu.memory_space<hbm>>)
    %dma_start3A_297 = arith.constant 0 : i32
    %dma_start3A_298 = tpu.memref_slice %arg2[%add3A_231, %dma_start3A_297] : memref<4096x2048xf32, #tpu.memory_space<hbm>> -> memref<16x2048xf32, #tpu.memory_space<hbm>>
    %dma_start3A_299 = arith.constant 0 : i32
    %dma_start3A_300 = tpu.memref_slice %arg2[%add3A_231, %dma_start3A_299] : memref<4096x2048xf32, #tpu.memory_space<hbm>> -> memref<16x2048xf32, #tpu.memory_space<hbm>>
    tpu.enqueue_dma source(%dma_start3A_300 : memref<16x2048xf32, #tpu.memory_space<hbm>>) target(%arg7 : memref<16x2048xf32, #tpu.memory_space<vmem>>) target_semaphore(%arg10 : memref<!tpu.dma_semaphore, #tpu.memory_space<semaphore_mem>>)
    %dma_wait3A_301 = arith.constant 0 : i32
    %dma_wait3A_302 = tpu.memref_slice %arg2[%add3A_227, %dma_wait3A_301] : memref<4096x2048xf32, #tpu.memory_space<hbm>> -> memref<16x2048xf32, #tpu.memory_space<hbm>>
    %dma_wait3A_303 = arith.constant 0 : i32
    %dma_wait3A_304 = tpu.memref_slice %arg2[%add3A_227, %dma_wait3A_303] : memref<4096x2048xf32, #tpu.memory_space<hbm>> -> memref<16x2048xf32, #tpu.memory_space<hbm>>
    tpu.wait_dma2 semaphore(%arg9 : memref<!tpu.dma_semaphore, #tpu.memory_space<semaphore_mem>>) src(%dma_wait3A_304 : memref<16x2048xf32, #tpu.memory_space<hbm>>) dst(%arg6 : memref<16x2048xf32, #tpu.memory_space<vmem>>)
    %dma_start3A_305 = arith.constant 2 : i32
    %dma_start3A_306 = arith.constant 0 : i32
    %dma_start3A_307 = tpu.memref_slice %arg4[%dma_start3A_305, %add3A_229, %dma_start3A_306] : memref<4x4096x2048xf32, #tpu.memory_space<hbm>> -> memref<1x16x2048xf32, #tpu.memory_space<hbm>>
    %dma_start3A_308 = tpu.memref_squeeze %dma_start3A_307 : memref<1x16x2048xf32, #tpu.memory_space<hbm>> -> memref<16x2048xf32, #tpu.memory_space<hbm>>
    %dma_start3A_309 = arith.constant 0 : i32
    %dma_start3A_310 = tpu.memref_slice %arg4[%dma_start3A_305, %add3A_229, %dma_start3A_309] : memref<4x4096x2048xf32, #tpu.memory_space<hbm>> -> memref<1x16x2048xf32, #tpu.memory_space<hbm>>
    %dma_start3A_311 = tpu.memref_squeeze %dma_start3A_310 : memref<1x16x2048xf32, #tpu.memory_space<hbm>> -> memref<16x2048xf32, #tpu.memory_space<hbm>>
    tpu.enqueue_dma source(%arg6 : memref<16x2048xf32, #tpu.memory_space<vmem>>) target(%dma_start3A_311 : memref<16x2048xf32, #tpu.memory_space<hbm>>) target_semaphore(%arg11 : memref<!tpu.dma_semaphore, #tpu.memory_space<semaphore_mem>>)
    %dma_wait3A_312 = arith.constant 2 : i32
    %dma_wait3A_313 = arith.constant 0 : i32
    %dma_wait3A_314 = tpu.memref_slice %arg4[%dma_wait3A_312, %add3A_229, %dma_wait3A_313] : memref<4x4096x2048xf32, #tpu.memory_space<hbm>> -> memref<1x16x2048xf32, #tpu.memory_space<hbm>>
    %dma_wait3A_315 = tpu.memref_squeeze %dma_wait3A_314 : memref<1x16x2048xf32, #tpu.memory_space<hbm>> -> memref<16x2048xf32, #tpu.memory_space<hbm>>
    %dma_wait3A_316 = arith.constant 0 : i32
    %dma_wait3A_317 = tpu.memref_slice %arg4[%dma_wait3A_312, %add3A_229, %dma_wait3A_316] : memref<4x4096x2048xf32, #tpu.memory_space<hbm>> -> memref<1x16x2048xf32, #tpu.memory_space<hbm>>
    %dma_wait3A_318 = tpu.memref_squeeze %dma_wait3A_317 : memref<1x16x2048xf32, #tpu.memory_space<hbm>> -> memref<16x2048xf32, #tpu.memory_space<hbm>>
    tpu.wait_dma2 semaphore(%arg11 : memref<!tpu.dma_semaphore, #tpu.memory_space<semaphore_mem>>) src(%arg6 : memref<16x2048xf32, #tpu.memory_space<vmem>>) dst(%dma_wait3A_318 : memref<16x2048xf32, #tpu.memory_space<hbm>>)
    %dma_start3A_319 = arith.constant 0 : i32
    %dma_start3A_320 = tpu.memref_slice %arg2[%add3A_235, %dma_start3A_319] : memref<4096x2048xf32, #tpu.memory_space<hbm>> -> memref<16x2048xf32, #tpu.memory_space<hbm>>
    %dma_start3A_321 = arith.constant 0 : i32
    %dma_start3A_322 = tpu.memref_slice %arg2[%add3A_235, %dma_start3A_321] : memref<4096x2048xf32, #tpu.memory_space<hbm>> -> memref<16x2048xf32, #tpu.memory_space<hbm>>
    tpu.enqueue_dma source(%dma_start3A_322 : memref<16x2048xf32, #tpu.memory_space<hbm>>) target(%arg6 : memref<16x2048xf32, #tpu.memory_space<vmem>>) target_semaphore(%arg9 : memref<!tpu.dma_semaphore, #tpu.memory_space<semaphore_mem>>)
    %dma_wait3A_323 = arith.constant 0 : i32
    %dma_wait3A_324 = tpu.memref_slice %arg2[%add3A_231, %dma_wait3A_323] : memref<4096x2048xf32, #tpu.memory_space<hbm>> -> memref<16x2048xf32, #tpu.memory_space<hbm>>
    %dma_wait3A_325 = arith.constant 0 : i32
    %dma_wait3A_326 = tpu.memref_slice %arg2[%add3A_231, %dma_wait3A_325] : memref<4096x2048xf32, #tpu.memory_space<hbm>> -> memref<16x2048xf32, #tpu.memory_space<hbm>>
    tpu.wait_dma2 semaphore(%arg10 : memref<!tpu.dma_semaphore, #tpu.memory_space<semaphore_mem>>) src(%dma_wait3A_326 : memref<16x2048xf32, #tpu.memory_space<hbm>>) dst(%arg7 : memref<16x2048xf32, #tpu.memory_space<vmem>>)
    %dma_start3A_327 = arith.constant 2 : i32
    %dma_start3A_328 = arith.constant 0 : i32
    %dma_start3A_329 = tpu.memref_slice %arg4[%dma_start3A_327, %add3A_233, %dma_start3A_328] : memref<4x4096x2048xf32, #tpu.memory_space<hbm>> -> memref<1x16x2048xf32, #tpu.memory_space<hbm>>
    %dma_start3A_330 = tpu.memref_squeeze %dma_start3A_329 : memref<1x16x2048xf32, #tpu.memory_space<hbm>> -> memref<16x2048xf32, #tpu.memory_space<hbm>>
    %dma_start3A_331 = arith.constant 0 : i32
    %dma_start3A_332 = tpu.memref_slice %arg4[%dma_start3A_327, %add3A_233, %dma_start3A_331] : memref<4x4096x2048xf32, #tpu.memory_space<hbm>> -> memref<1x16x2048xf32, #tpu.memory_space<hbm>>
    %dma_start3A_333 = tpu.memref_squeeze %dma_start3A_332 : memref<1x16x2048xf32, #tpu.memory_space<hbm>> -> memref<16x2048xf32, #tpu.memory_space<hbm>>
    tpu.enqueue_dma source(%arg7 : memref<16x2048xf32, #tpu.memory_space<vmem>>) target(%dma_start3A_333 : memref<16x2048xf32, #tpu.memory_space<hbm>>) target_semaphore(%arg12 : memref<!tpu.dma_semaphore, #tpu.memory_space<semaphore_mem>>)
    %dma_wait3A_334 = arith.constant 2 : i32
    %dma_wait3A_335 = arith.constant 0 : i32
    %dma_wait3A_336 = tpu.memref_slice %arg4[%dma_wait3A_334, %add3A_233, %dma_wait3A_335] : memref<4x4096x2048xf32, #tpu.memory_space<hbm>> -> memref<1x16x2048xf32, #tpu.memory_space<hbm>>
    %dma_wait3A_337 = tpu.memref_squeeze %dma_wait3A_336 : memref<1x16x2048xf32, #tpu.memory_space<hbm>> -> memref<16x2048xf32, #tpu.memory_space<hbm>>
    %dma_wait3A_338 = arith.constant 0 : i32
    %dma_wait3A_339 = tpu.memref_slice %arg4[%dma_wait3A_334, %add3A_233, %dma_wait3A_338] : memref<4x4096x2048xf32, #tpu.memory_space<hbm>> -> memref<1x16x2048xf32, #tpu.memory_space<hbm>>
    %dma_wait3A_340 = tpu.memref_squeeze %dma_wait3A_339 : memref<1x16x2048xf32, #tpu.memory_space<hbm>> -> memref<16x2048xf32, #tpu.memory_space<hbm>>
    tpu.wait_dma2 semaphore(%arg12 : memref<!tpu.dma_semaphore, #tpu.memory_space<semaphore_mem>>) src(%arg7 : memref<16x2048xf32, #tpu.memory_space<vmem>>) dst(%dma_wait3A_340 : memref<16x2048xf32, #tpu.memory_space<hbm>>)
    %dma_start3A_341 = arith.constant 0 : i32
    %dma_start3A_342 = tpu.memref_slice %arg2[%add3A_239, %dma_start3A_341] : memref<4096x2048xf32, #tpu.memory_space<hbm>> -> memref<16x2048xf32, #tpu.memory_space<hbm>>
    %dma_start3A_343 = arith.constant 0 : i32
    %dma_start3A_344 = tpu.memref_slice %arg2[%add3A_239, %dma_start3A_343] : memref<4096x2048xf32, #tpu.memory_space<hbm>> -> memref<16x2048xf32, #tpu.memory_space<hbm>>
    tpu.enqueue_dma source(%dma_start3A_344 : memref<16x2048xf32, #tpu.memory_space<hbm>>) target(%arg7 : memref<16x2048xf32, #tpu.memory_space<vmem>>) target_semaphore(%arg10 : memref<!tpu.dma_semaphore, #tpu.memory_space<semaphore_mem>>)
    %dma_wait3A_345 = arith.constant 0 : i32
    %dma_wait3A_346 = tpu.memref_slice %arg2[%add3A_235, %dma_wait3A_345] : memref<4096x2048xf32, #tpu.memory_space<hbm>> -> memref<16x2048xf32, #tpu.memory_space<hbm>>
    %dma_wait3A_347 = arith.constant 0 : i32
    %dma_wait3A_348 = tpu.memref_slice %arg2[%add3A_235, %dma_wait3A_347] : memref<4096x2048xf32, #tpu.memory_space<hbm>> -> memref<16x2048xf32, #tpu.memory_space<hbm>>
    tpu.wait_dma2 semaphore(%arg9 : memref<!tpu.dma_semaphore, #tpu.memory_space<semaphore_mem>>) src(%dma_wait3A_348 : memref<16x2048xf32, #tpu.memory_space<hbm>>) dst(%arg6 : memref<16x2048xf32, #tpu.memory_space<vmem>>)
    %dma_start3A_349 = arith.constant 2 : i32
    %dma_start3A_350 = arith.constant 0 : i32
    %dma_start3A_351 = tpu.memref_slice %arg4[%dma_start3A_349, %add3A_237, %dma_start3A_350] : memref<4x4096x2048xf32, #tpu.memory_space<hbm>> -> memref<1x16x2048xf32, #tpu.memory_space<hbm>>
    %dma_start3A_352 = tpu.memref_squeeze %dma_start3A_351 : memref<1x16x2048xf32, #tpu.memory_space<hbm>> -> memref<16x2048xf32, #tpu.memory_space<hbm>>
    %dma_start3A_353 = arith.constant 0 : i32
    %dma_start3A_354 = tpu.memref_slice %arg4[%dma_start3A_349, %add3A_237, %dma_start3A_353] : memref<4x4096x2048xf32, #tpu.memory_space<hbm>> -> memref<1x16x2048xf32, #tpu.memory_space<hbm>>
    %dma_start3A_355 = tpu.memref_squeeze %dma_start3A_354 : memref<1x16x2048xf32, #tpu.memory_space<hbm>> -> memref<16x2048xf32, #tpu.memory_space<hbm>>
    tpu.enqueue_dma source(%arg6 : memref<16x2048xf32, #tpu.memory_space<vmem>>) target(%dma_start3A_355 : memref<16x2048xf32, #tpu.memory_space<hbm>>) target_semaphore(%arg11 : memref<!tpu.dma_semaphore, #tpu.memory_space<semaphore_mem>>)
    %dma_wait3A_356 = arith.constant 2 : i32
    %dma_wait3A_357 = arith.constant 0 : i32
    %dma_wait3A_358 = tpu.memref_slice %arg4[%dma_wait3A_356, %add3A_237, %dma_wait3A_357] : memref<4x4096x2048xf32, #tpu.memory_space<hbm>> -> memref<1x16x2048xf32, #tpu.memory_space<hbm>>
    %dma_wait3A_359 = tpu.memref_squeeze %dma_wait3A_358 : memref<1x16x2048xf32, #tpu.memory_space<hbm>> -> memref<16x2048xf32, #tpu.memory_space<hbm>>
    %dma_wait3A_360 = arith.constant 0 : i32
    %dma_wait3A_361 = tpu.memref_slice %arg4[%dma_wait3A_356, %add3A_237, %dma_wait3A_360] : memref<4x4096x2048xf32, #tpu.memory_space<hbm>> -> memref<1x16x2048xf32, #tpu.memory_space<hbm>>
    %dma_wait3A_362 = tpu.memref_squeeze %dma_wait3A_361 : memref<1x16x2048xf32, #tpu.memory_space<hbm>> -> memref<16x2048xf32, #tpu.memory_space<hbm>>
    tpu.wait_dma2 semaphore(%arg11 : memref<!tpu.dma_semaphore, #tpu.memory_space<semaphore_mem>>) src(%arg6 : memref<16x2048xf32, #tpu.memory_space<vmem>>) dst(%dma_wait3A_362 : memref<16x2048xf32, #tpu.memory_space<hbm>>)
    %dma_start3A_363 = arith.constant 0 : i32
    %dma_start3A_364 = tpu.memref_slice %arg2[%add3A_243, %dma_start3A_363] : memref<4096x2048xf32, #tpu.memory_space<hbm>> -> memref<16x2048xf32, #tpu.memory_space<hbm>>
    %dma_start3A_365 = arith.constant 0 : i32
    %dma_start3A_366 = tpu.memref_slice %arg2[%add3A_243, %dma_start3A_365] : memref<4096x2048xf32, #tpu.memory_space<hbm>> -> memref<16x2048xf32, #tpu.memory_space<hbm>>
    tpu.enqueue_dma source(%dma_start3A_366 : memref<16x2048xf32, #tpu.memory_space<hbm>>) target(%arg6 : memref<16x2048xf32, #tpu.memory_space<vmem>>) target_semaphore(%arg9 : memref<!tpu.dma_semaphore, #tpu.memory_space<semaphore_mem>>)
    %dma_wait3A_367 = arith.constant 0 : i32
    %dma_wait3A_368 = tpu.memref_slice %arg2[%add3A_239, %dma_wait3A_367] : memref<4096x2048xf32, #tpu.memory_space<hbm>> -> memref<16x2048xf32, #tpu.memory_space<hbm>>
    %dma_wait3A_369 = arith.constant 0 : i32
    %dma_wait3A_370 = tpu.memref_slice %arg2[%add3A_239, %dma_wait3A_369] : memref<4096x2048xf32, #tpu.memory_space<hbm>> -> memref<16x2048xf32, #tpu.memory_space<hbm>>
    tpu.wait_dma2 semaphore(%arg10 : memref<!tpu.dma_semaphore, #tpu.memory_space<semaphore_mem>>) src(%dma_wait3A_370 : memref<16x2048xf32, #tpu.memory_space<hbm>>) dst(%arg7 : memref<16x2048xf32, #tpu.memory_space<vmem>>)
    %dma_start3A_371 = arith.constant 2 : i32
    %dma_start3A_372 = arith.constant 0 : i32
    %dma_start3A_373 = tpu.memref_slice %arg4[%dma_start3A_371, %add3A_241, %dma_start3A_372] : memref<4x4096x2048xf32, #tpu.memory_space<hbm>> -> memref<1x16x2048xf32, #tpu.memory_space<hbm>>
    %dma_start3A_374 = tpu.memref_squeeze %dma_start3A_373 : memref<1x16x2048xf32, #tpu.memory_space<hbm>> -> memref<16x2048xf32, #tpu.memory_space<hbm>>
    %dma_start3A_375 = arith.constant 0 : i32
    %dma_start3A_376 = tpu.memref_slice %arg4[%dma_start3A_371, %add3A_241, %dma_start3A_375] : memref<4x4096x2048xf32, #tpu.memory_space<hbm>> -> memref<1x16x2048xf32, #tpu.memory_space<hbm>>
    %dma_start3A_377 = tpu.memref_squeeze %dma_start3A_376 : memref<1x16x2048xf32, #tpu.memory_space<hbm>> -> memref<16x2048xf32, #tpu.memory_space<hbm>>
    tpu.enqueue_dma source(%arg7 : memref<16x2048xf32, #tpu.memory_space<vmem>>) target(%dma_start3A_377 : memref<16x2048xf32, #tpu.memory_space<hbm>>) target_semaphore(%arg12 : memref<!tpu.dma_semaphore, #tpu.memory_space<semaphore_mem>>)
    %dma_wait3A_378 = arith.constant 2 : i32
    %dma_wait3A_379 = arith.constant 0 : i32
    %dma_wait3A_380 = tpu.memref_slice %arg4[%dma_wait3A_378, %add3A_241, %dma_wait3A_379] : memref<4x4096x2048xf32, #tpu.memory_space<hbm>> -> memref<1x16x2048xf32, #tpu.memory_space<hbm>>
    %dma_wait3A_381 = tpu.memref_squeeze %dma_wait3A_380 : memref<1x16x2048xf32, #tpu.memory_space<hbm>> -> memref<16x2048xf32, #tpu.memory_space<hbm>>
    %dma_wait3A_382 = arith.constant 0 : i32
    %dma_wait3A_383 = tpu.memref_slice %arg4[%dma_wait3A_378, %add3A_241, %dma_wait3A_382] : memref<4x4096x2048xf32, #tpu.memory_space<hbm>> -> memref<1x16x2048xf32, #tpu.memory_space<hbm>>
    %dma_wait3A_384 = tpu.memref_squeeze %dma_wait3A_383 : memref<1x16x2048xf32, #tpu.memory_space<hbm>> -> memref<16x2048xf32, #tpu.memory_space<hbm>>
    tpu.wait_dma2 semaphore(%arg12 : memref<!tpu.dma_semaphore, #tpu.memory_space<semaphore_mem>>) src(%arg7 : memref<16x2048xf32, #tpu.memory_space<vmem>>) dst(%dma_wait3A_384 : memref<16x2048xf32, #tpu.memory_space<hbm>>)
    %dma_start3A_385 = arith.constant 0 : i32
    %dma_start3A_386 = tpu.memref_slice %arg2[%add3A_247, %dma_start3A_385] : memref<4096x2048xf32, #tpu.memory_space<hbm>> -> memref<16x2048xf32, #tpu.memory_space<hbm>>
    %dma_start3A_387 = arith.constant 0 : i32
    %dma_start3A_388 = tpu.memref_slice %arg2[%add3A_247, %dma_start3A_387] : memref<4096x2048xf32, #tpu.memory_space<hbm>> -> memref<16x2048xf32, #tpu.memory_space<hbm>>
    tpu.enqueue_dma source(%dma_start3A_388 : memref<16x2048xf32, #tpu.memory_space<hbm>>) target(%arg7 : memref<16x2048xf32, #tpu.memory_space<vmem>>) target_semaphore(%arg10 : memref<!tpu.dma_semaphore, #tpu.memory_space<semaphore_mem>>)
    %dma_wait3A_389 = arith.constant 0 : i32
    %dma_wait3A_390 = tpu.memref_slice %arg2[%add3A_243, %dma_wait3A_389] : memref<4096x2048xf32, #tpu.memory_space<hbm>> -> memref<16x2048xf32, #tpu.memory_space<hbm>>
    %dma_wait3A_391 = arith.constant 0 : i32
    %dma_wait3A_392 = tpu.memref_slice %arg2[%add3A_243, %dma_wait3A_391] : memref<4096x2048xf32, #tpu.memory_space<hbm>> -> memref<16x2048xf32, #tpu.memory_space<hbm>>
    tpu.wait_dma2 semaphore(%arg9 : memref<!tpu.dma_semaphore, #tpu.memory_space<semaphore_mem>>) src(%dma_wait3A_392 : memref<16x2048xf32, #tpu.memory_space<hbm>>) dst(%arg6 : memref<16x2048xf32, #tpu.memory_space<vmem>>)
    %dma_start3A_393 = arith.constant 2 : i32
    %dma_start3A_394 = arith.constant 0 : i32
    %dma_start3A_395 = tpu.memref_slice %arg4[%dma_start3A_393, %add3A_245, %dma_start3A_394] : memref<4x4096x2048xf32, #tpu.memory_space<hbm>> -> memref<1x16x2048xf32, #tpu.memory_space<hbm>>
    %dma_start3A_396 = tpu.memref_squeeze %dma_start3A_395 : memref<1x16x2048xf32, #tpu.memory_space<hbm>> -> memref<16x2048xf32, #tpu.memory_space<hbm>>
    %dma_start3A_397 = arith.constant 0 : i32
    %dma_start3A_398 = tpu.memref_slice %arg4[%dma_start3A_393, %add3A_245, %dma_start3A_397] : memref<4x4096x2048xf32, #tpu.memory_space<hbm>> -> memref<1x16x2048xf32, #tpu.memory_space<hbm>>
    %dma_start3A_399 = tpu.memref_squeeze %dma_start3A_398 : memref<1x16x2048xf32, #tpu.memory_space<hbm>> -> memref<16x2048xf32, #tpu.memory_space<hbm>>
    tpu.enqueue_dma source(%arg6 : memref<16x2048xf32, #tpu.memory_space<vmem>>) target(%dma_start3A_399 : memref<16x2048xf32, #tpu.memory_space<hbm>>) target_semaphore(%arg11 : memref<!tpu.dma_semaphore, #tpu.memory_space<semaphore_mem>>)
    %dma_wait3A_400 = arith.constant 0 : i32
    %dma_wait3A_401 = tpu.memref_slice %arg2[%add3A_247, %dma_wait3A_400] : memref<4096x2048xf32, #tpu.memory_space<hbm>> -> memref<16x2048xf32, #tpu.memory_space<hbm>>
    %dma_wait3A_402 = arith.constant 0 : i32
    %dma_wait3A_403 = tpu.memref_slice %arg2[%add3A_247, %dma_wait3A_402] : memref<4096x2048xf32, #tpu.memory_space<hbm>> -> memref<16x2048xf32, #tpu.memory_space<hbm>>
    tpu.wait_dma2 semaphore(%arg10 : memref<!tpu.dma_semaphore, #tpu.memory_space<semaphore_mem>>) src(%dma_wait3A_403 : memref<16x2048xf32, #tpu.memory_space<hbm>>) dst(%arg7 : memref<16x2048xf32, #tpu.memory_space<vmem>>)
    %dma_start3A_404 = arith.constant 2 : i32
    %dma_start3A_405 = arith.constant 0 : i32
    %dma_start3A_406 = tpu.memref_slice %arg4[%dma_start3A_404, %add3A_249, %dma_start3A_405] : memref<4x4096x2048xf32, #tpu.memory_space<hbm>> -> memref<1x16x2048xf32, #tpu.memory_space<hbm>>
    %dma_start3A_407 = tpu.memref_squeeze %dma_start3A_406 : memref<1x16x2048xf32, #tpu.memory_space<hbm>> -> memref<16x2048xf32, #tpu.memory_space<hbm>>
    %dma_start3A_408 = arith.constant 0 : i32
    %dma_start3A_409 = tpu.memref_slice %arg4[%dma_start3A_404, %add3A_249, %dma_start3A_408] : memref<4x4096x2048xf32, #tpu.memory_space<hbm>> -> memref<1x16x2048xf32, #tpu.memory_space<hbm>>
    %dma_start3A_410 = tpu.memref_squeeze %dma_start3A_409 : memref<1x16x2048xf32, #tpu.memory_space<hbm>> -> memref<16x2048xf32, #tpu.memory_space<hbm>>
    tpu.enqueue_dma source(%arg7 : memref<16x2048xf32, #tpu.memory_space<vmem>>) target(%dma_start3A_410 : memref<16x2048xf32, #tpu.memory_space<hbm>>) target_semaphore(%arg12 : memref<!tpu.dma_semaphore, #tpu.memory_space<semaphore_mem>>)
    %dma_wait3A_411 = arith.constant 2 : i32
    %dma_wait3A_412 = arith.constant 0 : i32
    %dma_wait3A_413 = tpu.memref_slice %arg4[%dma_wait3A_411, %add3A_245, %dma_wait3A_412] : memref<4x4096x2048xf32, #tpu.memory_space<hbm>> -> memref<1x16x2048xf32, #tpu.memory_space<hbm>>
    %dma_wait3A_414 = tpu.memref_squeeze %dma_wait3A_413 : memref<1x16x2048xf32, #tpu.memory_space<hbm>> -> memref<16x2048xf32, #tpu.memory_space<hbm>>
    %dma_wait3A_415 = arith.constant 0 : i32
    %dma_wait3A_416 = tpu.memref_slice %arg4[%dma_wait3A_411, %add3A_245, %dma_wait3A_415] : memref<4x4096x2048xf32, #tpu.memory_space<hbm>> -> memref<1x16x2048xf32, #tpu.memory_space<hbm>>
    %dma_wait3A_417 = tpu.memref_squeeze %dma_wait3A_416 : memref<1x16x2048xf32, #tpu.memory_space<hbm>> -> memref<16x2048xf32, #tpu.memory_space<hbm>>
    tpu.wait_dma2 semaphore(%arg11 : memref<!tpu.dma_semaphore, #tpu.memory_space<semaphore_mem>>) src(%arg6 : memref<16x2048xf32, #tpu.memory_space<vmem>>) dst(%dma_wait3A_417 : memref<16x2048xf32, #tpu.memory_space<hbm>>)
    %dma_wait3A_418 = arith.constant 2 : i32
    %dma_wait3A_419 = arith.constant 0 : i32
    %dma_wait3A_420 = tpu.memref_slice %arg4[%dma_wait3A_418, %add3A_249, %dma_wait3A_419] : memref<4x4096x2048xf32, #tpu.memory_space<hbm>> -> memref<1x16x2048xf32, #tpu.memory_space<hbm>>
    %dma_wait3A_421 = tpu.memref_squeeze %dma_wait3A_420 : memref<1x16x2048xf32, #tpu.memory_space<hbm>> -> memref<16x2048xf32, #tpu.memory_space<hbm>>
    %dma_wait3A_422 = arith.constant 0 : i32
    %dma_wait3A_423 = tpu.memref_slice %arg4[%dma_wait3A_418, %add3A_249, %dma_wait3A_422] : memref<4x4096x2048xf32, #tpu.memory_space<hbm>> -> memref<1x16x2048xf32, #tpu.memory_space<hbm>>
    %dma_wait3A_424 = tpu.memref_squeeze %dma_wait3A_423 : memref<1x16x2048xf32, #tpu.memory_space<hbm>> -> memref<16x2048xf32, #tpu.memory_space<hbm>>
    tpu.wait_dma2 semaphore(%arg12 : memref<!tpu.dma_semaphore, #tpu.memory_space<semaphore_mem>>) src(%arg7 : memref<16x2048xf32, #tpu.memory_space<vmem>>) dst(%dma_wait3A_424 : memref<16x2048xf32, #tpu.memory_space<hbm>>)
    %dma_wait3A_425 = arith.constant 0 : i32
    %dma_wait3A_426 = arith.constant 0 : i32
    %dma_wait3A_427 = tpu.memref_slice %arg4[%dma_wait3A_425, %add3A_4, %dma_wait3A_426] : memref<4x4096x2048xf32, #tpu.memory_space<hbm>> -> memref<1x16x2048xf32, #tpu.memory_space<hbm>>
    %dma_wait3A_428 = tpu.memref_squeeze %dma_wait3A_427 : memref<1x16x2048xf32, #tpu.memory_space<hbm>> -> memref<16x2048xf32, #tpu.memory_space<hbm>>
    %dma_wait3A_429 = arith.constant 0 : i32
    %dma_wait3A_430 = tpu.memref_slice %arg4[%dma_wait3A_425, %add3A_4, %dma_wait3A_429] : memref<4x4096x2048xf32, #tpu.memory_space<hbm>> -> memref<1x16x2048xf32, #tpu.memory_space<hbm>>
    %dma_wait3A_431 = tpu.memref_squeeze %dma_wait3A_430 : memref<1x16x2048xf32, #tpu.memory_space<hbm>> -> memref<16x2048xf32, #tpu.memory_space<hbm>>
    tpu.wait_dma2 semaphore(%arg8 : memref<!tpu.dma_semaphore, #tpu.memory_space<semaphore_mem>>) src(%arg5 : memref<16x2048xf32, #tpu.memory_space<vmem>>) dst(%dma_wait3A_431 : memref<16x2048xf32, #tpu.memory_space<hbm>>)
    %dma_wait3A_432 = arith.constant 0 : i32
    %dma_wait3A_433 = arith.constant 0 : i32
    %dma_wait3A_434 = tpu.memref_slice %arg4[%dma_wait3A_432, %add3A_12, %dma_wait3A_433] : memref<4x4096x2048xf32, #tpu.memory_space<hbm>> -> memref<1x16x2048xf32, #tpu.memory_space<hbm>>
    %dma_wait3A_435 = tpu.memref_squeeze %dma_wait3A_434 : memref<1x16x2048xf32, #tpu.memory_space<hbm>> -> memref<16x2048xf32, #tpu.memory_space<hbm>>
    %dma_wait3A_436 = arith.constant 0 : i32
    %dma_wait3A_437 = tpu.memref_slice %arg4[%dma_wait3A_432, %add3A_12, %dma_wait3A_436] : memref<4x4096x2048xf32, #tpu.memory_space<hbm>> -> memref<1x16x2048xf32, #tpu.memory_space<hbm>>
    %dma_wait3A_438 = tpu.memref_squeeze %dma_wait3A_437 : memref<1x16x2048xf32, #tpu.memory_space<hbm>> -> memref<16x2048xf32, #tpu.memory_space<hbm>>
    tpu.wait_dma2 semaphore(%arg8 : memref<!tpu.dma_semaphore, #tpu.memory_space<semaphore_mem>>) src(%arg5 : memref<16x2048xf32, #tpu.memory_space<vmem>>) dst(%dma_wait3A_438 : memref<16x2048xf32, #tpu.memory_space<hbm>>)
    %dma_wait3A_439 = arith.constant 0 : i32
    %dma_wait3A_440 = arith.constant 0 : i32
    %dma_wait3A_441 = tpu.memref_slice %arg4[%dma_wait3A_439, %add3A_21, %dma_wait3A_440] : memref<4x4096x2048xf32, #tpu.memory_space<hbm>> -> memref<1x16x2048xf32, #tpu.memory_space<hbm>>
    %dma_wait3A_442 = tpu.memref_squeeze %dma_wait3A_441 : memref<1x16x2048xf32, #tpu.memory_space<hbm>> -> memref<16x2048xf32, #tpu.memory_space<hbm>>
    %dma_wait3A_443 = arith.constant 0 : i32
    %dma_wait3A_444 = tpu.memref_slice %arg4[%dma_wait3A_439, %add3A_21, %dma_wait3A_443] : memref<4x4096x2048xf32, #tpu.memory_space<hbm>> -> memref<1x16x2048xf32, #tpu.memory_space<hbm>>
    %dma_wait3A_445 = tpu.memref_squeeze %dma_wait3A_444 : memref<1x16x2048xf32, #tpu.memory_space<hbm>> -> memref<16x2048xf32, #tpu.memory_space<hbm>>
    tpu.wait_dma2 semaphore(%arg8 : memref<!tpu.dma_semaphore, #tpu.memory_space<semaphore_mem>>) src(%arg5 : memref<16x2048xf32, #tpu.memory_space<vmem>>) dst(%dma_wait3A_445 : memref<16x2048xf32, #tpu.memory_space<hbm>>)
    %dma_wait3A_446 = arith.constant 0 : i32
    %dma_wait3A_447 = arith.constant 0 : i32
    %dma_wait3A_448 = tpu.memref_slice %arg4[%dma_wait3A_446, %add3A_30, %dma_wait3A_447] : memref<4x4096x2048xf32, #tpu.memory_space<hbm>> -> memref<1x16x2048xf32, #tpu.memory_space<hbm>>
    %dma_wait3A_449 = tpu.memref_squeeze %dma_wait3A_448 : memref<1x16x2048xf32, #tpu.memory_space<hbm>> -> memref<16x2048xf32, #tpu.memory_space<hbm>>
    %dma_wait3A_450 = arith.constant 0 : i32
    %dma_wait3A_451 = tpu.memref_slice %arg4[%dma_wait3A_446, %add3A_30, %dma_wait3A_450] : memref<4x4096x2048xf32, #tpu.memory_space<hbm>> -> memref<1x16x2048xf32, #tpu.memory_space<hbm>>
    %dma_wait3A_452 = tpu.memref_squeeze %dma_wait3A_451 : memref<1x16x2048xf32, #tpu.memory_space<hbm>> -> memref<16x2048xf32, #tpu.memory_space<hbm>>
    tpu.wait_dma2 semaphore(%arg8 : memref<!tpu.dma_semaphore, #tpu.memory_space<semaphore_mem>>) src(%arg5 : memref<16x2048xf32, #tpu.memory_space<vmem>>) dst(%dma_wait3A_452 : memref<16x2048xf32, #tpu.memory_space<hbm>>)
    %dma_wait3A_453 = arith.constant 0 : i32
    %dma_wait3A_454 = arith.constant 0 : i32
    %dma_wait3A_455 = tpu.memref_slice %arg4[%dma_wait3A_453, %add3A_39, %dma_wait3A_454] : memref<4x4096x2048xf32, #tpu.memory_space<hbm>> -> memref<1x16x2048xf32, #tpu.memory_space<hbm>>
    %dma_wait3A_456 = tpu.memref_squeeze %dma_wait3A_455 : memref<1x16x2048xf32, #tpu.memory_space<hbm>> -> memref<16x2048xf32, #tpu.memory_space<hbm>>
    %dma_wait3A_457 = arith.constant 0 : i32
    %dma_wait3A_458 = tpu.memref_slice %arg4[%dma_wait3A_453, %add3A_39, %dma_wait3A_457] : memref<4x4096x2048xf32, #tpu.memory_space<hbm>> -> memref<1x16x2048xf32, #tpu.memory_space<hbm>>
    %dma_wait3A_459 = tpu.memref_squeeze %dma_wait3A_458 : memref<1x16x2048xf32, #tpu.memory_space<hbm>> -> memref<16x2048xf32, #tpu.memory_space<hbm>>
    tpu.wait_dma2 semaphore(%arg8 : memref<!tpu.dma_semaphore, #tpu.memory_space<semaphore_mem>>) src(%arg5 : memref<16x2048xf32, #tpu.memory_space<vmem>>) dst(%dma_wait3A_459 : memref<16x2048xf32, #tpu.memory_space<hbm>>)
    %dma_wait3A_460 = arith.constant 0 : i32
    %dma_wait3A_461 = arith.constant 0 : i32
    %dma_wait3A_462 = tpu.memref_slice %arg4[%dma_wait3A_460, %add3A_48, %dma_wait3A_461] : memref<4x4096x2048xf32, #tpu.memory_space<hbm>> -> memref<1x16x2048xf32, #tpu.memory_space<hbm>>
    %dma_wait3A_463 = tpu.memref_squeeze %dma_wait3A_462 : memref<1x16x2048xf32, #tpu.memory_space<hbm>> -> memref<16x2048xf32, #tpu.memory_space<hbm>>
    %dma_wait3A_464 = arith.constant 0 : i32
    %dma_wait3A_465 = tpu.memref_slice %arg4[%dma_wait3A_460, %add3A_48, %dma_wait3A_464] : memref<4x4096x2048xf32, #tpu.memory_space<hbm>> -> memref<1x16x2048xf32, #tpu.memory_space<hbm>>
    %dma_wait3A_466 = tpu.memref_squeeze %dma_wait3A_465 : memref<1x16x2048xf32, #tpu.memory_space<hbm>> -> memref<16x2048xf32, #tpu.memory_space<hbm>>
    tpu.wait_dma2 semaphore(%arg8 : memref<!tpu.dma_semaphore, #tpu.memory_space<semaphore_mem>>) src(%arg5 : memref<16x2048xf32, #tpu.memory_space<vmem>>) dst(%dma_wait3A_466 : memref<16x2048xf32, #tpu.memory_space<hbm>>)
    %dma_wait3A_467 = arith.constant 0 : i32
    %dma_wait3A_468 = arith.constant 0 : i32
    %dma_wait3A_469 = tpu.memref_slice %arg4[%dma_wait3A_467, %add3A_57, %dma_wait3A_468] : memref<4x4096x2048xf32, #tpu.memory_space<hbm>> -> memref<1x16x2048xf32, #tpu.memory_space<hbm>>
    %dma_wait3A_470 = tpu.memref_squeeze %dma_wait3A_469 : memref<1x16x2048xf32, #tpu.memory_space<hbm>> -> memref<16x2048xf32, #tpu.memory_space<hbm>>
    %dma_wait3A_471 = arith.constant 0 : i32
    %dma_wait3A_472 = tpu.memref_slice %arg4[%dma_wait3A_467, %add3A_57, %dma_wait3A_471] : memref<4x4096x2048xf32, #tpu.memory_space<hbm>> -> memref<1x16x2048xf32, #tpu.memory_space<hbm>>
    %dma_wait3A_473 = tpu.memref_squeeze %dma_wait3A_472 : memref<1x16x2048xf32, #tpu.memory_space<hbm>> -> memref<16x2048xf32, #tpu.memory_space<hbm>>
    tpu.wait_dma2 semaphore(%arg8 : memref<!tpu.dma_semaphore, #tpu.memory_space<semaphore_mem>>) src(%arg5 : memref<16x2048xf32, #tpu.memory_space<vmem>>) dst(%dma_wait3A_473 : memref<16x2048xf32, #tpu.memory_space<hbm>>)
    %dma_wait3A_474 = arith.constant 0 : i32
    %dma_wait3A_475 = arith.constant 0 : i32
    %dma_wait3A_476 = tpu.memref_slice %arg4[%dma_wait3A_474, %add3A_66, %dma_wait3A_475] : memref<4x4096x2048xf32, #tpu.memory_space<hbm>> -> memref<1x16x2048xf32, #tpu.memory_space<hbm>>
    %dma_wait3A_477 = tpu.memref_squeeze %dma_wait3A_476 : memref<1x16x2048xf32, #tpu.memory_space<hbm>> -> memref<16x2048xf32, #tpu.memory_space<hbm>>
    %dma_wait3A_478 = arith.constant 0 : i32
    %dma_wait3A_479 = tpu.memref_slice %arg4[%dma_wait3A_474, %add3A_66, %dma_wait3A_478] : memref<4x4096x2048xf32, #tpu.memory_space<hbm>> -> memref<1x16x2048xf32, #tpu.memory_space<hbm>>
    %dma_wait3A_480 = tpu.memref_squeeze %dma_wait3A_479 : memref<1x16x2048xf32, #tpu.memory_space<hbm>> -> memref<16x2048xf32, #tpu.memory_space<hbm>>
    tpu.wait_dma2 semaphore(%arg8 : memref<!tpu.dma_semaphore, #tpu.memory_space<semaphore_mem>>) src(%arg5 : memref<16x2048xf32, #tpu.memory_space<vmem>>) dst(%dma_wait3A_480 : memref<16x2048xf32, #tpu.memory_space<hbm>>)
    %dma_wait3A_481 = arith.constant 1 : i32
    %dma_wait3A_482 = arith.constant 0 : i32
    %dma_wait3A_483 = tpu.memref_slice %arg4[%dma_wait3A_481, %add3A_75, %dma_wait3A_482] : memref<4x4096x2048xf32, #tpu.memory_space<hbm>> -> memref<1x16x2048xf32, #tpu.memory_space<hbm>>
    %dma_wait3A_484 = tpu.memref_squeeze %dma_wait3A_483 : memref<1x16x2048xf32, #tpu.memory_space<hbm>> -> memref<16x2048xf32, #tpu.memory_space<hbm>>
    %dma_wait3A_485 = arith.constant 0 : i32
    %dma_wait3A_486 = tpu.memref_slice %arg4[%dma_wait3A_481, %add3A_75, %dma_wait3A_485] : memref<4x4096x2048xf32, #tpu.memory_space<hbm>> -> memref<1x16x2048xf32, #tpu.memory_space<hbm>>
    %dma_wait3A_487 = tpu.memref_squeeze %dma_wait3A_486 : memref<1x16x2048xf32, #tpu.memory_space<hbm>> -> memref<16x2048xf32, #tpu.memory_space<hbm>>
    tpu.wait_dma2 semaphore(%arg8 : memref<!tpu.dma_semaphore, #tpu.memory_space<semaphore_mem>>) src(%arg5 : memref<16x2048xf32, #tpu.memory_space<vmem>>) dst(%dma_wait3A_487 : memref<16x2048xf32, #tpu.memory_space<hbm>>)
    %dma_wait3A_488 = arith.constant 1 : i32
    %dma_wait3A_489 = arith.constant 0 : i32
    %dma_wait3A_490 = tpu.memref_slice %arg4[%dma_wait3A_488, %add3A_84, %dma_wait3A_489] : memref<4x4096x2048xf32, #tpu.memory_space<hbm>> -> memref<1x16x2048xf32, #tpu.memory_space<hbm>>
    %dma_wait3A_491 = tpu.memref_squeeze %dma_wait3A_490 : memref<1x16x2048xf32, #tpu.memory_space<hbm>> -> memref<16x2048xf32, #tpu.memory_space<hbm>>
    %dma_wait3A_492 = arith.constant 0 : i32
    %dma_wait3A_493 = tpu.memref_slice %arg4[%dma_wait3A_488, %add3A_84, %dma_wait3A_492] : memref<4x4096x2048xf32, #tpu.memory_space<hbm>> -> memref<1x16x2048xf32, #tpu.memory_space<hbm>>
    %dma_wait3A_494 = tpu.memref_squeeze %dma_wait3A_493 : memref<1x16x2048xf32, #tpu.memory_space<hbm>> -> memref<16x2048xf32, #tpu.memory_space<hbm>>
    tpu.wait_dma2 semaphore(%arg8 : memref<!tpu.dma_semaphore, #tpu.memory_space<semaphore_mem>>) src(%arg5 : memref<16x2048xf32, #tpu.memory_space<vmem>>) dst(%dma_wait3A_494 : memref<16x2048xf32, #tpu.memory_space<hbm>>)
    %dma_wait3A_495 = arith.constant 1 : i32
    %dma_wait3A_496 = arith.constant 0 : i32
    %dma_wait3A_497 = tpu.memref_slice %arg4[%dma_wait3A_495, %add3A_93, %dma_wait3A_496] : memref<4x4096x2048xf32, #tpu.memory_space<hbm>> -> memref<1x16x2048xf32, #tpu.memory_space<hbm>>
    %dma_wait3A_498 = tpu.memref_squeeze %dma_wait3A_497 : memref<1x16x2048xf32, #tpu.memory_space<hbm>> -> memref<16x2048xf32, #tpu.memory_space<hbm>>
    %dma_wait3A_499 = arith.constant 0 : i32
    %dma_wait3A_500 = tpu.memref_slice %arg4[%dma_wait3A_495, %add3A_93, %dma_wait3A_499] : memref<4x4096x2048xf32, #tpu.memory_space<hbm>> -> memref<1x16x2048xf32, #tpu.memory_space<hbm>>
    %dma_wait3A_501 = tpu.memref_squeeze %dma_wait3A_500 : memref<1x16x2048xf32, #tpu.memory_space<hbm>> -> memref<16x2048xf32, #tpu.memory_space<hbm>>
    tpu.wait_dma2 semaphore(%arg8 : memref<!tpu.dma_semaphore, #tpu.memory_space<semaphore_mem>>) src(%arg5 : memref<16x2048xf32, #tpu.memory_space<vmem>>) dst(%dma_wait3A_501 : memref<16x2048xf32, #tpu.memory_space<hbm>>)
    %dma_wait3A_502 = arith.constant 1 : i32
    %dma_wait3A_503 = arith.constant 0 : i32
    %dma_wait3A_504 = tpu.memref_slice %arg4[%dma_wait3A_502, %add3A_102, %dma_wait3A_503] : memref<4x4096x2048xf32, #tpu.memory_space<hbm>> -> memref<1x16x2048xf32, #tpu.memory_space<hbm>>
    %dma_wait3A_505 = tpu.memref_squeeze %dma_wait3A_504 : memref<1x16x2048xf32, #tpu.memory_space<hbm>> -> memref<16x2048xf32, #tpu.memory_space<hbm>>
    %dma_wait3A_506 = arith.constant 0 : i32
    %dma_wait3A_507 = tpu.memref_slice %arg4[%dma_wait3A_502, %add3A_102, %dma_wait3A_506] : memref<4x4096x2048xf32, #tpu.memory_space<hbm>> -> memref<1x16x2048xf32, #tpu.memory_space<hbm>>
    %dma_wait3A_508 = tpu.memref_squeeze %dma_wait3A_507 : memref<1x16x2048xf32, #tpu.memory_space<hbm>> -> memref<16x2048xf32, #tpu.memory_space<hbm>>
    tpu.wait_dma2 semaphore(%arg8 : memref<!tpu.dma_semaphore, #tpu.memory_space<semaphore_mem>>) src(%arg5 : memref<16x2048xf32, #tpu.memory_space<vmem>>) dst(%dma_wait3A_508 : memref<16x2048xf32, #tpu.memory_space<hbm>>)
    %dma_wait3A_509 = arith.constant 1 : i32
    %dma_wait3A_510 = arith.constant 0 : i32
    %dma_wait3A_511 = tpu.memref_slice %arg4[%dma_wait3A_509, %add3A_111, %dma_wait3A_510] : memref<4x4096x2048xf32, #tpu.memory_space<hbm>> -> memref<1x16x2048xf32, #tpu.memory_space<hbm>>
    %dma_wait3A_512 = tpu.memref_squeeze %dma_wait3A_511 : memref<1x16x2048xf32, #tpu.memory_space<hbm>> -> memref<16x2048xf32, #tpu.memory_space<hbm>>
    %dma_wait3A_513 = arith.constant 0 : i32
    %dma_wait3A_514 = tpu.memref_slice %arg4[%dma_wait3A_509, %add3A_111, %dma_wait3A_513] : memref<4x4096x2048xf32, #tpu.memory_space<hbm>> -> memref<1x16x2048xf32, #tpu.memory_space<hbm>>
    %dma_wait3A_515 = tpu.memref_squeeze %dma_wait3A_514 : memref<1x16x2048xf32, #tpu.memory_space<hbm>> -> memref<16x2048xf32, #tpu.memory_space<hbm>>
    tpu.wait_dma2 semaphore(%arg8 : memref<!tpu.dma_semaphore, #tpu.memory_space<semaphore_mem>>) src(%arg5 : memref<16x2048xf32, #tpu.memory_space<vmem>>) dst(%dma_wait3A_515 : memref<16x2048xf32, #tpu.memory_space<hbm>>)
    %dma_wait3A_516 = arith.constant 1 : i32
    %dma_wait3A_517 = arith.constant 0 : i32
    %dma_wait3A_518 = tpu.memref_slice %arg4[%dma_wait3A_516, %add3A_120, %dma_wait3A_517] : memref<4x4096x2048xf32, #tpu.memory_space<hbm>> -> memref<1x16x2048xf32, #tpu.memory_space<hbm>>
    %dma_wait3A_519 = tpu.memref_squeeze %dma_wait3A_518 : memref<1x16x2048xf32, #tpu.memory_space<hbm>> -> memref<16x2048xf32, #tpu.memory_space<hbm>>
    %dma_wait3A_520 = arith.constant 0 : i32
    %dma_wait3A_521 = tpu.memref_slice %arg4[%dma_wait3A_516, %add3A_120, %dma_wait3A_520] : memref<4x4096x2048xf32, #tpu.memory_space<hbm>> -> memref<1x16x2048xf32, #tpu.memory_space<hbm>>
    %dma_wait3A_522 = tpu.memref_squeeze %dma_wait3A_521 : memref<1x16x2048xf32, #tpu.memory_space<hbm>> -> memref<16x2048xf32, #tpu.memory_space<hbm>>
    tpu.wait_dma2 semaphore(%arg8 : memref<!tpu.dma_semaphore, #tpu.memory_space<semaphore_mem>>) src(%arg5 : memref<16x2048xf32, #tpu.memory_space<vmem>>) dst(%dma_wait3A_522 : memref<16x2048xf32, #tpu.memory_space<hbm>>)
    %dma_wait3A_523 = arith.constant 1 : i32
    %dma_wait3A_524 = arith.constant 0 : i32
    %dma_wait3A_525 = tpu.memref_slice %arg4[%dma_wait3A_523, %add3A_129, %dma_wait3A_524] : memref<4x4096x2048xf32, #tpu.memory_space<hbm>> -> memref<1x16x2048xf32, #tpu.memory_space<hbm>>
    %dma_wait3A_526 = tpu.memref_squeeze %dma_wait3A_525 : memref<1x16x2048xf32, #tpu.memory_space<hbm>> -> memref<16x2048xf32, #tpu.memory_space<hbm>>
    %dma_wait3A_527 = arith.constant 0 : i32
    %dma_wait3A_528 = tpu.memref_slice %arg4[%dma_wait3A_523, %add3A_129, %dma_wait3A_527] : memref<4x4096x2048xf32, #tpu.memory_space<hbm>> -> memref<1x16x2048xf32, #tpu.memory_space<hbm>>
    %dma_wait3A_529 = tpu.memref_squeeze %dma_wait3A_528 : memref<1x16x2048xf32, #tpu.memory_space<hbm>> -> memref<16x2048xf32, #tpu.memory_space<hbm>>
    tpu.wait_dma2 semaphore(%arg8 : memref<!tpu.dma_semaphore, #tpu.memory_space<semaphore_mem>>) src(%arg5 : memref<16x2048xf32, #tpu.memory_space<vmem>>) dst(%dma_wait3A_529 : memref<16x2048xf32, #tpu.memory_space<hbm>>)
    %dma_wait3A_530 = arith.constant 1 : i32
    %dma_wait3A_531 = arith.constant 0 : i32
    %dma_wait3A_532 = tpu.memref_slice %arg4[%dma_wait3A_530, %add3A_138, %dma_wait3A_531] : memref<4x4096x2048xf32, #tpu.memory_space<hbm>> -> memref<1x16x2048xf32, #tpu.memory_space<hbm>>
    %dma_wait3A_533 = tpu.memref_squeeze %dma_wait3A_532 : memref<1x16x2048xf32, #tpu.memory_space<hbm>> -> memref<16x2048xf32, #tpu.memory_space<hbm>>
    %dma_wait3A_534 = arith.constant 0 : i32
    %dma_wait3A_535 = tpu.memref_slice %arg4[%dma_wait3A_530, %add3A_138, %dma_wait3A_534] : memref<4x4096x2048xf32, #tpu.memory_space<hbm>> -> memref<1x16x2048xf32, #tpu.memory_space<hbm>>
    %dma_wait3A_536 = tpu.memref_squeeze %dma_wait3A_535 : memref<1x16x2048xf32, #tpu.memory_space<hbm>> -> memref<16x2048xf32, #tpu.memory_space<hbm>>
    tpu.wait_dma2 semaphore(%arg8 : memref<!tpu.dma_semaphore, #tpu.memory_space<semaphore_mem>>) src(%arg5 : memref<16x2048xf32, #tpu.memory_space<vmem>>) dst(%dma_wait3A_536 : memref<16x2048xf32, #tpu.memory_space<hbm>>)
    %dma_wait3A_537 = arith.constant 3 : i32
    %dma_wait3A_538 = arith.constant 0 : i32
    %dma_wait3A_539 = tpu.memref_slice %arg4[%dma_wait3A_537, %add3A_147, %dma_wait3A_538] : memref<4x4096x2048xf32, #tpu.memory_space<hbm>> -> memref<1x16x2048xf32, #tpu.memory_space<hbm>>
    %dma_wait3A_540 = tpu.memref_squeeze %dma_wait3A_539 : memref<1x16x2048xf32, #tpu.memory_space<hbm>> -> memref<16x2048xf32, #tpu.memory_space<hbm>>
    %dma_wait3A_541 = arith.constant 0 : i32
    %dma_wait3A_542 = tpu.memref_slice %arg4[%dma_wait3A_537, %add3A_147, %dma_wait3A_541] : memref<4x4096x2048xf32, #tpu.memory_space<hbm>> -> memref<1x16x2048xf32, #tpu.memory_space<hbm>>
    %dma_wait3A_543 = tpu.memref_squeeze %dma_wait3A_542 : memref<1x16x2048xf32, #tpu.memory_space<hbm>> -> memref<16x2048xf32, #tpu.memory_space<hbm>>
    tpu.wait_dma2 semaphore(%arg8 : memref<!tpu.dma_semaphore, #tpu.memory_space<semaphore_mem>>) src(%arg5 : memref<16x2048xf32, #tpu.memory_space<vmem>>) dst(%dma_wait3A_543 : memref<16x2048xf32, #tpu.memory_space<hbm>>)
    %dma_wait3A_544 = arith.constant 3 : i32
    %dma_wait3A_545 = arith.constant 0 : i32
    %dma_wait3A_546 = tpu.memref_slice %arg4[%dma_wait3A_544, %add3A_156, %dma_wait3A_545] : memref<4x4096x2048xf32, #tpu.memory_space<hbm>> -> memref<1x16x2048xf32, #tpu.memory_space<hbm>>
    %dma_wait3A_547 = tpu.memref_squeeze %dma_wait3A_546 : memref<1x16x2048xf32, #tpu.memory_space<hbm>> -> memref<16x2048xf32, #tpu.memory_space<hbm>>
    %dma_wait3A_548 = arith.constant 0 : i32
    %dma_wait3A_549 = tpu.memref_slice %arg4[%dma_wait3A_544, %add3A_156, %dma_wait3A_548] : memref<4x4096x2048xf32, #tpu.memory_space<hbm>> -> memref<1x16x2048xf32, #tpu.memory_space<hbm>>
    %dma_wait3A_550 = tpu.memref_squeeze %dma_wait3A_549 : memref<1x16x2048xf32, #tpu.memory_space<hbm>> -> memref<16x2048xf32, #tpu.memory_space<hbm>>
    tpu.wait_dma2 semaphore(%arg8 : memref<!tpu.dma_semaphore, #tpu.memory_space<semaphore_mem>>) src(%arg5 : memref<16x2048xf32, #tpu.memory_space<vmem>>) dst(%dma_wait3A_550 : memref<16x2048xf32, #tpu.memory_space<hbm>>)
    %dma_wait3A_551 = arith.constant 3 : i32
    %dma_wait3A_552 = arith.constant 0 : i32
    %dma_wait3A_553 = tpu.memref_slice %arg4[%dma_wait3A_551, %add3A_165, %dma_wait3A_552] : memref<4x4096x2048xf32, #tpu.memory_space<hbm>> -> memref<1x16x2048xf32, #tpu.memory_space<hbm>>
    %dma_wait3A_554 = tpu.memref_squeeze %dma_wait3A_553 : memref<1x16x2048xf32, #tpu.memory_space<hbm>> -> memref<16x2048xf32, #tpu.memory_space<hbm>>
    %dma_wait3A_555 = arith.constant 0 : i32
    %dma_wait3A_556 = tpu.memref_slice %arg4[%dma_wait3A_551, %add3A_165, %dma_wait3A_555] : memref<4x4096x2048xf32, #tpu.memory_space<hbm>> -> memref<1x16x2048xf32, #tpu.memory_space<hbm>>
    %dma_wait3A_557 = tpu.memref_squeeze %dma_wait3A_556 : memref<1x16x2048xf32, #tpu.memory_space<hbm>> -> memref<16x2048xf32, #tpu.memory_space<hbm>>
    tpu.wait_dma2 semaphore(%arg8 : memref<!tpu.dma_semaphore, #tpu.memory_space<semaphore_mem>>) src(%arg5 : memref<16x2048xf32, #tpu.memory_space<vmem>>) dst(%dma_wait3A_557 : memref<16x2048xf32, #tpu.memory_space<hbm>>)
    %dma_wait3A_558 = arith.constant 3 : i32
    %dma_wait3A_559 = arith.constant 0 : i32
    %dma_wait3A_560 = tpu.memref_slice %arg4[%dma_wait3A_558, %add3A_174, %dma_wait3A_559] : memref<4x4096x2048xf32, #tpu.memory_space<hbm>> -> memref<1x16x2048xf32, #tpu.memory_space<hbm>>
    %dma_wait3A_561 = tpu.memref_squeeze %dma_wait3A_560 : memref<1x16x2048xf32, #tpu.memory_space<hbm>> -> memref<16x2048xf32, #tpu.memory_space<hbm>>
    %dma_wait3A_562 = arith.constant 0 : i32
    %dma_wait3A_563 = tpu.memref_slice %arg4[%dma_wait3A_558, %add3A_174, %dma_wait3A_562] : memref<4x4096x2048xf32, #tpu.memory_space<hbm>> -> memref<1x16x2048xf32, #tpu.memory_space<hbm>>
    %dma_wait3A_564 = tpu.memref_squeeze %dma_wait3A_563 : memref<1x16x2048xf32, #tpu.memory_space<hbm>> -> memref<16x2048xf32, #tpu.memory_space<hbm>>
    tpu.wait_dma2 semaphore(%arg8 : memref<!tpu.dma_semaphore, #tpu.memory_space<semaphore_mem>>) src(%arg5 : memref<16x2048xf32, #tpu.memory_space<vmem>>) dst(%dma_wait3A_564 : memref<16x2048xf32, #tpu.memory_space<hbm>>)
    %dma_wait3A_565 = arith.constant 3 : i32
    %dma_wait3A_566 = arith.constant 0 : i32
    %dma_wait3A_567 = tpu.memref_slice %arg4[%dma_wait3A_565, %add3A_183, %dma_wait3A_566] : memref<4x4096x2048xf32, #tpu.memory_space<hbm>> -> memref<1x16x2048xf32, #tpu.memory_space<hbm>>
    %dma_wait3A_568 = tpu.memref_squeeze %dma_wait3A_567 : memref<1x16x2048xf32, #tpu.memory_space<hbm>> -> memref<16x2048xf32, #tpu.memory_space<hbm>>
    %dma_wait3A_569 = arith.constant 0 : i32
    %dma_wait3A_570 = tpu.memref_slice %arg4[%dma_wait3A_565, %add3A_183, %dma_wait3A_569] : memref<4x4096x2048xf32, #tpu.memory_space<hbm>> -> memref<1x16x2048xf32, #tpu.memory_space<hbm>>
    %dma_wait3A_571 = tpu.memref_squeeze %dma_wait3A_570 : memref<1x16x2048xf32, #tpu.memory_space<hbm>> -> memref<16x2048xf32, #tpu.memory_space<hbm>>
    tpu.wait_dma2 semaphore(%arg8 : memref<!tpu.dma_semaphore, #tpu.memory_space<semaphore_mem>>) src(%arg5 : memref<16x2048xf32, #tpu.memory_space<vmem>>) dst(%dma_wait3A_571 : memref<16x2048xf32, #tpu.memory_space<hbm>>)
    %dma_wait3A_572 = arith.constant 3 : i32
    %dma_wait3A_573 = arith.constant 0 : i32
    %dma_wait3A_574 = tpu.memref_slice %arg4[%dma_wait3A_572, %add3A_192, %dma_wait3A_573] : memref<4x4096x2048xf32, #tpu.memory_space<hbm>> -> memref<1x16x2048xf32, #tpu.memory_space<hbm>>
    %dma_wait3A_575 = tpu.memref_squeeze %dma_wait3A_574 : memref<1x16x2048xf32, #tpu.memory_space<hbm>> -> memref<16x2048xf32, #tpu.memory_space<hbm>>
    %dma_wait3A_576 = arith.constant 0 : i32
    %dma_wait3A_577 = tpu.memref_slice %arg4[%dma_wait3A_572, %add3A_192, %dma_wait3A_576] : memref<4x4096x2048xf32, #tpu.memory_space<hbm>> -> memref<1x16x2048xf32, #tpu.memory_space<hbm>>
    %dma_wait3A_578 = tpu.memref_squeeze %dma_wait3A_577 : memref<1x16x2048xf32, #tpu.memory_space<hbm>> -> memref<16x2048xf32, #tpu.memory_space<hbm>>
    tpu.wait_dma2 semaphore(%arg8 : memref<!tpu.dma_semaphore, #tpu.memory_space<semaphore_mem>>) src(%arg5 : memref<16x2048xf32, #tpu.memory_space<vmem>>) dst(%dma_wait3A_578 : memref<16x2048xf32, #tpu.memory_space<hbm>>)
    %dma_wait3A_579 = arith.constant 3 : i32
    %dma_wait3A_580 = arith.constant 0 : i32
    %dma_wait3A_581 = tpu.memref_slice %arg4[%dma_wait3A_579, %add3A_201, %dma_wait3A_580] : memref<4x4096x2048xf32, #tpu.memory_space<hbm>> -> memref<1x16x2048xf32, #tpu.memory_space<hbm>>
    %dma_wait3A_582 = tpu.memref_squeeze %dma_wait3A_581 : memref<1x16x2048xf32, #tpu.memory_space<hbm>> -> memref<16x2048xf32, #tpu.memory_space<hbm>>
    %dma_wait3A_583 = arith.constant 0 : i32
    %dma_wait3A_584 = tpu.memref_slice %arg4[%dma_wait3A_579, %add3A_201, %dma_wait3A_583] : memref<4x4096x2048xf32, #tpu.memory_space<hbm>> -> memref<1x16x2048xf32, #tpu.memory_space<hbm>>
    %dma_wait3A_585 = tpu.memref_squeeze %dma_wait3A_584 : memref<1x16x2048xf32, #tpu.memory_space<hbm>> -> memref<16x2048xf32, #tpu.memory_space<hbm>>
    tpu.wait_dma2 semaphore(%arg8 : memref<!tpu.dma_semaphore, #tpu.memory_space<semaphore_mem>>) src(%arg5 : memref<16x2048xf32, #tpu.memory_space<vmem>>) dst(%dma_wait3A_585 : memref<16x2048xf32, #tpu.memory_space<hbm>>)
    %dma_wait3A_586 = arith.constant 3 : i32
    %dma_wait3A_587 = arith.constant 0 : i32
    %dma_wait3A_588 = tpu.memref_slice %arg4[%dma_wait3A_586, %add3A_210, %dma_wait3A_587] : memref<4x4096x2048xf32, #tpu.memory_space<hbm>> -> memref<1x16x2048xf32, #tpu.memory_space<hbm>>
    %dma_wait3A_589 = tpu.memref_squeeze %dma_wait3A_588 : memref<1x16x2048xf32, #tpu.memory_space<hbm>> -> memref<16x2048xf32, #tpu.memory_space<hbm>>
    %dma_wait3A_590 = arith.constant 0 : i32
    %dma_wait3A_591 = tpu.memref_slice %arg4[%dma_wait3A_586, %add3A_210, %dma_wait3A_590] : memref<4x4096x2048xf32, #tpu.memory_space<hbm>> -> memref<1x16x2048xf32, #tpu.memory_space<hbm>>
    %dma_wait3A_592 = tpu.memref_squeeze %dma_wait3A_591 : memref<1x16x2048xf32, #tpu.memory_space<hbm>> -> memref<16x2048xf32, #tpu.memory_space<hbm>>
    tpu.wait_dma2 semaphore(%arg8 : memref<!tpu.dma_semaphore, #tpu.memory_space<semaphore_mem>>) src(%arg5 : memref<16x2048xf32, #tpu.memory_space<vmem>>) dst(%dma_wait3A_592 : memref<16x2048xf32, #tpu.memory_space<hbm>>)
    return
  }
}

</mosaic_0001>

<sc_bundles>
// kernel: kernel.3.cloned.1.call-start
scs
__scs_entry_jumppad:
0x0: {  	(pc) =	sbr.rel $0x88, $3  }
0x1: {  	(tag) =	ssettag $0x0;
	lr =	simm.s32 $0x1  }
0x2: {  	[smem:$0x3FA0] =	sst lr;
	_ =	strace $0xD0000000  }
0x3: {  	_ = 	snop  }
0x4: {  	_ = 	snop  }
0x5: {  	_ = 	snop  }
0x6: {  	_ = 	snop  }
0x7: {  	_ = 	snop  }
__scs_overlays_trampoline_lowered:
0x8: {  	[smem:$0x3FAF] =	sst s0  }
0x9: {  	[smem:$0x3FB0] =	sst s1  }
0xa: {  	[smem:$0x3FB1] =	sst s2  }
0xb: {  	[smem:$0x3FB2] =	sst s3  }
0xc: {  	[smem:$0x3FB3] =	sst s4  }
0xd: {  	[smem:$0x3FB4] =	sst s5  }
0xe: {  	[smem:$0x3FB5] =	sst s6  }
0xf: {  	[smem:$0x3FB6] =	sst s7  }
0x10: {  	[smem:$0x3FB7] =	sst s8  }
0x11: {  	[smem:$0x3FB8] =	sst s9;
	s0 =	simm.s32 @!p0 $0x0  }
0x12: {  	s1 =	sld [smem:$0x3F9E];
	s0 =	simm.s32 @p0 $0x1  }
0x13: {  	[smem:$0x3FB9] =	sst s0;
	s0 =	simm.s32 @!p1 $0x0  }
0x14: {  	s2 =	sld [smem:$0x3F9D];
	s0 =	simm.s32 @p1 $0x1  }
0x15: {  	[smem:$0x3FBA] =	sst s0;
	s0 =	simm.s32 @!p2 $0x0  }
0x16: {  	s3 =	sld [smem:$0x3FDB];
	s0 =	simm.s32 @p2 $0x1  }
0x17: {  	s4 =	simm.s32 $0x1BF5;
	[smem:$0x3FBC] =	sst s0  }
0x18: {  	s0 =	sld [smem:$0x3F9F];
	_ =	swait.ge [sflag:s4], $0x0  }
0x19: {  	s7 =	sld [smem:$0x3FA0]  }
0x1a: {  	s8 =	sadd.s32 $0xFFFFE003, lr  }
0x1b: {  	s9 =	sadd.s32 $0xFFFFFEF7, lr;
	s5 =	simm.s32 $0xFFFFFFFF;
	p2 =	slt.u32 s8, $0xFFFFF086  }
0x1c: {  	p1 =	slt.u32 s9, $0xF7A;
	s5 =	simm.s32 @!p2 $0x0  }
0x1d: {  	s5 =	simm.s32 @p1 $0x1;
	p0 =	seq.s32 s7, s2  }
0x1e: {  	s7 =	smul.u32 @!p0 $0xF7A, s2;
	p2 =	seq.s32 @!p0 s5, $0x0  }
0x1f: {  	s9 =	smul.u32 $0xF7A, s1;
	s8 =	simm.s32 @!p0 $0x1BF5;
	p2 =	por !p2, p0  }
0x20: {  	[sflag:s8] =	ssyncset.s32 @!p0 $0xFFFFF086;
	s6 =	sadd.s32 @!p0 s3, s7;
	s7 =	simm.s32 @!p0 $0x108  }
0x21: {  	s3 =	sadd.s32 s3, s9;
	s6 =	sadd.s32 @!p0 $0x88, s6;
	s7 =	simm.s32 @p2 $0x1082  }
0x22: {  	[simem:s7], [sflag:s8] =	dma.local @!p0 [hbm:s6], $0xF7A  }
0x23: {  	s9 =	sor.u32 $0xD0000000, s2;
	s6 =	simm.s32 $0x108;
	_ =	swait.ge @!p0 [sflag:s8], $0x0  }
0x24: {  	s3 =	sadd.s32 $0x88, s3;
	s6 =	simm.s32 @!p1 $0x1082;
	[sflag:s4] =	ssyncset.s32 $0xFFFFF086  }
0x25: {  	[simem:s6], [sflag:s4] =	dma.local [hbm:s3], $0xF7A  }
0x26: {  	[smem:$0x3FA0] =	sst s1;
	(tag) =	ssettag s2;
	_ =	strace s9  }
0x27: {  	s1 =	sld [smem:$0x3FB0]  }
0x28: {  	s2 =	sld [smem:$0x3FB1]  }
0x29: {  	s4 =	sld [smem:$0x3FB3]  }
0x2a: {  	p0 =	seq.s32 s5, $0x0;
	s5 =	sld [smem:$0x3FB4]  }
0x2b: {  	s6 =	sld [smem:$0x3FB5]  }
0x2c: {  	s7 =	sld [smem:$0x3FB6]  }
0x2d: {  	s3 =	simm.s32 $0x108;
	s8 =	sld [smem:$0x3FB7]  }
0x2e: {  	s3 =	simm.s32 @!p0 $0x1082;
	s9 =	sld [smem:$0x3FB8]  }
0x2f: {  	lr =	sadd.s32 s0, s3;
	s0 =	sld [smem:$0x3FAF]  }
0x30: {  	s3 =	sld [smem:$0x3FB2]  }
0x31: {  	[smem:$0x3FBB] =	sst s10  }
0x32: {  	s10 =	sld [smem:$0x3FB9];
	_ =	sdelay $0x3  }
0x33: {  	p0 =	seq.s32 s10, $0x1;
	s10 =	sld [smem:$0x3FBB];
	_ =	sdelay $0x3  }
0x34: {  	[smem:$0x3FBB] =	sst s10  }
0x35: {  	s10 =	sld [smem:$0x3FBA];
	_ =	sdelay $0x3  }
0x36: {  	p1 =	seq.s32 s10, $0x1;
	s10 =	sld [smem:$0x3FBB];
	_ =	sdelay $0x3  }
0x37: {  	[smem:$0x3FBB] =	sst s10  }
0x38: {  	s10 =	sld [smem:$0x3FBC]  }
0x39: {  	_ = 	snop;
	(pc) =	sbr.ind lr, $3  }
0x3a: {  	_ = 	snop  }
0x3b: {  	_ = 	snop  }
0x3c: {  	p2 =	seq.s32 s10, $0x1;
	s10 =	sld [smem:$0x3FBB]  }
0x3d: {  	_ =	shalt  }
0x3e: {  	_ =	shalt  }
0x3f: {  	_ =	shalt  }
0x40: {  	_ =	shalt  }
0x41: {  	_ =	shalt  }
0x42: {  	_ =	shalt  }
0x43: {  	_ =	shalt  }
0x44: {  	_ =	shalt  }
0x45: {  	_ =	shalt  }
0x46: {  	_ =	shalt  }
0x47: {  	_ =	shalt  }
0x48: {  	_ =	shalt  }
0x49: {  	_ =	shalt  }
0x4a: {  	_ =	shalt  }
0x4b: {  	_ =	shalt  }
0x4c: {  	_ =	shalt  }
0x4d: {  	_ =	shalt  }
0x4e: {  	_ =	shalt  }
0x4f: {  	_ =	shalt  }
0x50: {  	_ =	shalt  }
0x51: {  	_ =	shalt  }
0x52: {  	_ =	shalt  }
0x53: {  	_ =	shalt  }
0x54: {  	_ =	shalt  }
0x55: {  	_ =	shalt  }
0x56: {  	_ =	shalt  }
0x57: {  	_ =	shalt  }
0x58: {  	_ =	shalt  }
0x59: {  	_ =	shalt  }
0x5a: {  	_ =	shalt  }
0x5b: {  	_ =	shalt  }
0x5c: {  	_ =	shalt  }
0x5d: {  	_ =	shalt  }
0x5e: {  	_ =	shalt  }
0x5f: {  	_ =	shalt  }
0x60: {  	_ =	shalt  }
0x61: {  	_ =	shalt  }
0x62: {  	_ =	shalt  }
0x63: {  	_ =	shalt  }
0x64: {  	_ =	shalt  }
0x65: {  	_ =	shalt  }
0x66: {  	_ =	shalt  }
0x67: {  	_ =	shalt  }
0x68: {  	_ =	shalt  }
0x69: {  	_ =	shalt  }
0x6a: {  	_ =	shalt  }
0x6b: {  	_ =	shalt  }
0x6c: {  	_ =	shalt  }
0x6d: {  	_ =	shalt  }
0x6e: {  	_ =	shalt  }
0x6f: {  	_ =	shalt  }
0x70: {  	_ =	shalt  }
0x71: {  	_ =	shalt  }
0x72: {  	_ =	shalt  }
0x73: {  	_ =	shalt  }
0x74: {  	_ =	shalt  }
0x75: {  	_ =	shalt  }
0x76: {  	_ =	shalt  }
0x77: {  	_ =	shalt  }
0x78: {  	_ =	shalt  }
0x79: {  	_ =	shalt  }
0x7a: {  	_ =	shalt  }
0x7b: {  	_ =	shalt  }
0x7c: {  	_ =	shalt  }
0x7d: {  	_ =	shalt  }
0x7e: {  	_ =	shalt  }
0x7f: {  	_ =	shalt  }
0x80: {  	_ =	shalt  }
0x81: {  	_ =	shalt  }
0x82: {  	_ =	shalt  }
0x83: {  	_ =	shalt  }
0x84: {  	_ =	shalt  }
0x85: {  	_ =	shalt  }
0x86: {  	_ =	shalt  }
0x87: {  	_ =	shalt  }
.Lfunc_end0:
.L_simem_size_0:
called_computation_lowered:
.L_overlay_start_0:
0x88: {  	s2 =	sld [smem:$0x3FD9]  }
0x89: {  	s3 =	sld [smem:$0x3FFE];
	_ =	sdelay $0x1  }
0x8a: {  	s1 =	srdreg.scid  }
0x8b: {  	s0 =	sand.u32 $0x1, s1  }
0x8c: {  	s17 =	sshll.u32 s0, $0xA;
	s2 =	sadd.s32 s3, s2  }
0x8d: {  	s2 =	sadd.s32 s2, s17  }
0x8e: {  	[smem:$0x3FC7] =	sst s2  }
0x8f: {  	_ = 	snop  }
0x90: {  	s2 =	sld [smem:$0x3FC9]  }
0x91: {  	s18 =	sld [smem:$0x3FD0];
	(tm) =	ssettm $0x1  }
0x92: {  	s4 =	sld [smem:$0x3FFB];
	_ =	sdelay $0x3  }
0x93: {  	_ =	strace s4  }
0x94: {  	s4 =	sld [smem:$0x3FFC];
	_ =	sdelay $0x3  }
0x95: {  	_ =	strace s4  }
0x96: {  	s4 =	sld [smem:$0x3FFD];
	_ =	sdelay $0x3  }
0x97: {  	_ =	strace s4  }
0x98: {  	_ =	strace $0x8FFFFFFF  }
0x99: {  	s19 =	sld [smem:$0x3FDB];
	_ =	sdelay $0x1  }
0x9a: {  	s5 =	simm.s32 $_scs_section_size  }
0x9b: {  	s6 =	simm.s32 $_size__tile_overlayer_lowered;
	s7 =	simm.s32 $_tile_overlayer_lowered  }
0x9c: {  	s22 =	simm.s32 $0x1BFF;
	s21 =	sshll.u32 s7, $0x1;
	s4 =	sadd.s32 s5, s19  }
0x9d: {  	s8 =	simm.s32 $0x0;
	s20 =	sshll.u32 s6, $0x1;
	s6 =	sadd.s32 s21, s4  }
0x9e: {  	[timem:s8], [sflag:s22] =	dma.local [hbm:s6], s20  }
0x9f: {  	_ =	swait.ge [sflag:s22], s20  }
0xa0: {  	s5 =	ssub.s32 $0x0, s20;
	[sflag:s22] =	ssyncset.done $0x0  }
0xa1: {  	[sflag:s22] =	ssyncadd.s32 s5;
	_ =	sdelay $0x1  }
0xa2: {  	s23 =	simm.s32 $0x1B8B  }
0xa3: {  	_ =	swait.ge [sflag:s23], $0x1  }
0xa4: {  	[sflag:s23] =	ssyncset.done $0x0  }
0xa5: {  	s25 =	simm.s32 $0x1B8E;
	s24 =	sld [smem:$0x3FFE];
	[sflag:s23] =	ssyncadd.s32 $0xFFFFFFFF  }
0xa6: {  	s26 =	simm.s32 $execute0_lowered;
	[smem:$0x3FD2] =	sst s25  }
0xa7: {  	s6 =	sshll.u32 s26, $0x1;
	_ =	strace $0x80000046;
	[dreg:$0x1] =	wrdreg $0xFFFFFFFF  }
0xa8: {  	s28 =	simm.s32 $_size_execute0_lowered;
	s4 =	sadd.s32 s4, s6;
	[dreg:$0x0] =	wrdreg $0x0  }
0xa9: {  	s6 =	sshll.u32 s28, $0x1;
	[dreg:$0x2] =	wrdreg s4  }
0xaa: {  	[dreg:$0x3] =	wrdreg s6  }
0xab: {  	[dreg:$0x4] =	wrdreg $0xC0  }
0xac: {  	_ =	task [dreg:s8], $0x5FFFF  }
0xad: {  	[dreg:$0x1] =	wrdreg $0xFFFFFFFF  }
0xae: {  	[dreg:$0x0] =	wrdreg $0x60  }
0xaf: {  	[dreg:$0x2] =	wrdreg s2  }
0xb0: {  	[dreg:$0x3] =	wrdreg s24  }
0xb1: {  	[dreg:$0x4] =	wrdreg s18  }
0xb2: {  	[dreg:$0x5] =	wrdreg $0x9  }
0xb3: {  	_ =	task.clear_ibuf [dreg:s8], $0x6FFFF;
	_ =	strace $0x90000046  }
0xb4: {  	s29 =	simm.s32 $0x9;
	_ =	strace $0x80000048  }
0xb5: {  	_ =	swait.ge [sflag:s29], $0x1  }
0xb6: {  	[sflag:s29] =	ssyncadd.s32 $0xFFFFFFFF  }
0xb7: {  	_ =	strace $0x90000048  }
0xb8: {  	_ =	sfence  }
0xb9: {  	s30 =	sld [smem:$0x0];
	_ =	sdelay $0x2  }
0xba: {  	s31 =	sshll.u32 s1, $0xD;
	s1 =	sshrl.u32 s1, $0x2  }
0xbb: {  	s3 =	sand.u32 $0x4000, s31;
	s1 =	sadd.s32 s1, s30  }
0xbc: {  	s0 =	sor.u32 s3, s0;
	s1 =	sshll.u32 s1, $0x11  }
0xbd: {  	s0 =	sor.u32 s1, s0  }
0xbe: {  	s0 =	sadd.s32 $0x8F2B, s0  }
0xbf: {  	[sflag:s0] =	ssyncadd.remote.s32 $0x1  }
0xc0: {  	_ =	sfence.sel $0xFFFF  }
0xc1: {  	[dreg:$0x0] =	wrdreg $0xFFFFFFFF;
	(pc) =	sbr.abs _section_cstart, $3  }
0xc2: {  	[dreg:$0x1] =	wrdreg $0xFFFFFFFF  }
0xc3: {  	_ =	task.clear_ibuf [dreg:s8], $0x2FFFF;
	_ =	strace $0x9FFFFFFF  }
0xc4: {  	(tm) =	ssettm $0x7FFFFFFF  }
0xc5: {  	_ =	shalt  }
tec
execute0_lowered:
.L_overlay_start_1:
0x0: {  	(tag) =	ssettag $0x1  }
0x1: {  	s0 =	rddreg [dreg:$0x0]  }
0x2: {  	s1 =	rddreg [dreg:$0x1];
	s2 =	srdreg.scid  }
0x3: {  	s3 =	rddreg [dreg:$0x2];
	s5 =	stileid.u32;
	s4 =	sand.u32 $0x1, s2  }
0x4: {  	s2 =	simm.s32 $0x0;
	s5 =	sshll.u32 s5, $0x10;
	s6 =	sshll.u32 s4, $0xF  }
0x5: {  	s1 =	sadd.s32 $0x400, s1;
	[smem:$0x7FF] =	sst s2;
	s5 =	sor.u32 s6, s5  }
0x6: {  	_ =	strace $0x80000047;
	[dreg:$0x4] =	wrdreg s1;
	s6 =	sor.u32 $0x1000, s5  }
0x7: {  	s7 =	sor.u32 $0x2000, s5;
	s1 =	rddreg [dreg:$0x4];
	s21 =	sadd.s32 s3, s6  }
0x8: {  	s8 =	sor.u32 $0x3000, s5;
	s22 =	sadd.s32 s3, s7;
	[dreg:$0x5] =	wrdreg s21  }
0x9: {  	s9 =	sor.u32 $0x4000, s5;
	s23 =	sadd.s32 s3, s8;
	[dreg:$0x6] =	wrdreg s22  }
0xa: {  	s10 =	sor.u32 $0x5000, s5;
	s24 =	sadd.s32 s3, s9;
	[dreg:$0x7] =	wrdreg s23  }
0xb: {  	s11 =	sor.u32 $0x6000, s5;
	s25 =	sadd.s32 s3, s10;
	[dreg:$0x8] =	wrdreg s24  }
0xc: {  	s12 =	sor.u32 $0x7000, s5;
	s26 =	sadd.s32 s3, s11;
	[dreg:$0x9] =	wrdreg s25  }
0xd: {  	s30 =	sadd.s32 s3, s5;
	s13 =	sadd.s32 s3, s12;
	[dreg:$0xa] =	wrdreg s26  }
0xe: {  	s14 =	sadd.s32 $0x100000, s30;
	[dreg:$0xb] =	wrdreg s13  }
0xf: {  	s31 =	simm.s32 $0x6;
	s15 =	sadd.s32 $0x101000, s30;
	[dreg:$0xc] =	wrdreg s14  }
0x10: {  	p0 =	por $0x0, $0x0;
	s16 =	sadd.s32 $0x102000, s30;
	[dreg:$0xd] =	wrdreg s15  }
0x11: {  	s28 =	sadd.s32 s0, s5;
	s17 =	sadd.s32 $0x103000, s30;
	[dreg:$0xe] =	wrdreg s16  }
0x12: {  	s18 =	sadd.s32 $0x104000, s30;
	s19 =	sadd.s32 $0x105000, s30;
	[dreg:$0xf] =	wrdreg s17  }
0x13: {  	s20 =	sadd.s32 $0x106000, s30;
	s29 =	sadd.s32 s0, s6;
	[dreg:$0x10] =	wrdreg s18  }
0x14: {  	s5 =	sadd.s32 $0x206000, s30;
	s6 =	simm.s32 $0x5;
	[dreg:$0x11] =	wrdreg s19  }
0x15: {  	[dreg:$0x12] =	wrdreg s20;
	s21 =	sadd.s32 $0x107000, s30;
	s22 =	sadd.s32 $0x300000, s30  }
0x16: {  	s23 =	sadd.s32 $0x301000, s30;
	s24 =	ssub.s32 $0x2, s4;
	s25 =	sadd.s32 $0x302000, s30  }
0x17: {  	s26 =	sadd.s32 $0x303000, s30;
	s13 =	sadd.s32 $0x304000, s30;
	s20 =	sadd.s32 s0, s8  }
0x18: {  	s19 =	sadd.s32 $0x202000, s30;
	s18 =	sadd.s32 s0, s9;
	[dreg:$0x13] =	wrdreg s21  }
0x19: {  	s17 =	sadd.s32 $0x203000, s30;
	s16 =	sadd.s32 s0, s10;
	[dreg:$0x14] =	wrdreg s22  }
0x1a: {  	s15 =	sadd.s32 $0x204000, s30;
	[dreg:$0x15] =	wrdreg s23;
	s4 =	sshrl.u32 s24, $0x1  }
0x1b: {  	s9 =	simm.s32 $0x8000;
	[dreg:$0x16] =	wrdreg s25;
	s3 =	ssub.s32 s24, s4  }
0x1c: {  	s10 =	simm.s32 $0x10000;
	[dreg:$0x17] =	wrdreg s26;
	s14 =	smax.u32 s3, $0x1  }
0x1d: {  	s8 =	simm.s32 $0x4;
	[dreg:$0x18] =	wrdreg s13;
	p1 =	sne.s32 s14, $0x1  }
.Ltmp0:
0x1e: {  	s25 =	sadd.s32 $0x306000, s30;
	s26 =	sadd.s32 $0x307000, s30;
	(pc) =	sbr.rel @!p1 .LBB2_3-.Ltmp0, $4  }
0x1f: {  	s23 =	sadd.s32 $0x200000, s30;
	s22 =	sadd.s32 s0, s7;
	s21 =	sadd.s32 $0x201000, s30  }
0x20: {  	s13 =	sadd.s32 s0, s11;
	s11 =	sadd.s32 $0x205000, s30;
	s7 =	sadd.s32 s0, s12  }
0x21: {  	s12 =	simm.s32 $0x3;
	s24 =	sadd.s32 $0x305000, s30;
	s4 =	sadd.s32 $0x207000, s30  }
0x22: {  	s3 =	simm.s32 $0x1;
	s0 =	sadd.s32 $0xFFFFFFFF, s14;
	s14 =	simm.s32 $0x2  }
0x23: {  	[tilespmem:s2], [sflag:$0x6] =	stream.linear.gather [hbm4b:s1+s2], $0x8000, $0x38;
	[tilespmem:$0x18000] =	vst v63  }
0x24: {  	_ =	swait.ge [sflag:s31], $0x8000  }
0x25: {  	[sflag:s31] =	ssyncset.done $0x0  }
0x26: {  	[dreg:$0x19] =	wrdreg s0;
	[sflag:s31] =	ssyncadd.s32 $0xFFFF8000  }
0x27: {  	[hbm4b:s30+s2] =	stream.linear.scatter [tilespmem:s2], [sflag:$0x1], $0x8000, $0x38;
	[tilespmem:$0x18000] =	vst v63  }
0x28: {  	s1 =	rddreg [dreg:$0x5]  }
0x29: {  	[hbm4b:s1+s2] =	stream.linear.scatter [tilespmem:s2], [sflag:$0x1], $0x8000, $0x38;
	[tilespmem:$0x18000] =	vst v63  }
0x2a: {  	s0 =	rddreg [dreg:$0x6]  }
0x2b: {  	[hbm4b:s0+s2] =	stream.linear.scatter [tilespmem:s2], [sflag:$0x1], $0x8000, $0x38;
	[tilespmem:$0x18000] =	vst v63  }
0x2c: {  	s1 =	rddreg [dreg:$0x7]  }
0x2d: {  	[hbm4b:s1+s2] =	stream.linear.scatter [tilespmem:s2], [sflag:$0x1], $0x8000, $0x38;
	[tilespmem:$0x18000] =	vst v63  }
0x2e: {  	s0 =	rddreg [dreg:$0x8]  }
0x2f: {  	[hbm4b:s0+s2] =	stream.linear.scatter [tilespmem:s2], [sflag:$0x1], $0x8000, $0x38;
	[tilespmem:$0x18000] =	vst v63  }
0x30: {  	s1 =	rddreg [dreg:$0x9]  }
0x31: {  	[hbm4b:s1+s2] =	stream.linear.scatter [tilespmem:s2], [sflag:$0x1], $0x8000, $0x38;
	[tilespmem:$0x18000] =	vst v63  }
0x32: {  	s0 =	rddreg [dreg:$0xa]  }
0x33: {  	[hbm4b:s0+s2] =	stream.linear.scatter [tilespmem:s2], [sflag:$0x1], $0x8000, $0x38;
	[tilespmem:$0x18000] =	vst v63  }
0x34: {  	s1 =	rddreg [dreg:$0xb]  }
0x35: {  	[hbm4b:s1+s2] =	stream.linear.scatter [tilespmem:s2], [sflag:$0x1], $0x8000, $0x38;
	[tilespmem:$0x18000] =	vst v63  }
0x36: {  	s0 =	rddreg [dreg:$0xc]  }
0x37: {  	[hbm4b:s0+s2] =	stream.linear.scatter [tilespmem:s2], [sflag:$0x1], $0x8000, $0x38;
	[tilespmem:$0x18000] =	vst v63  }
0x38: {  	s1 =	rddreg [dreg:$0xd]  }
0x39: {  	[hbm4b:s1+s2] =	stream.linear.scatter [tilespmem:s2], [sflag:$0x1], $0x8000, $0x38;
	[tilespmem:$0x18000] =	vst v63  }
0x3a: {  	s0 =	rddreg [dreg:$0xe]  }
0x3b: {  	[hbm4b:s0+s2] =	stream.linear.scatter [tilespmem:s2], [sflag:$0x1], $0x8000, $0x38;
	[tilespmem:$0x18000] =	vst v63  }
0x3c: {  	s1 =	rddreg [dreg:$0xf]  }
0x3d: {  	[hbm4b:s1+s2] =	stream.linear.scatter [tilespmem:s2], [sflag:$0x1], $0x8000, $0x38;
	[tilespmem:$0x18000] =	vst v63  }
0x3e: {  	s0 =	rddreg [dreg:$0x10]  }
0x3f: {  	[hbm4b:s0+s2] =	stream.linear.scatter [tilespmem:s2], [sflag:$0x1], $0x8000, $0x38;
	[tilespmem:$0x18000] =	vst v63  }
0x40: {  	s1 =	rddreg [dreg:$0x11]  }
0x41: {  	[hbm4b:s1+s2] =	stream.linear.scatter [tilespmem:s2], [sflag:$0x1], $0x8000, $0x38;
	[tilespmem:$0x18000] =	vst v63  }
0x42: {  	s0 =	rddreg [dreg:$0x12]  }
0x43: {  	[hbm4b:s0+s2] =	stream.linear.scatter [tilespmem:s2], [sflag:$0x1], $0x8000, $0x38;
	[tilespmem:$0x18000] =	vst v63  }
0x44: {  	s1 =	rddreg [dreg:$0x13]  }
0x45: {  	[hbm4b:s1+s2] =	stream.linear.scatter [tilespmem:s2], [sflag:$0x1], $0x8000, $0x38;
	[tilespmem:$0x18000] =	vst v63  }
0x46: {  	s0 =	rddreg [dreg:$0x14]  }
0x47: {  	[hbm4b:s0+s2] =	stream.linear.scatter [tilespmem:s2], [sflag:$0x1], $0x8000, $0x38;
	[tilespmem:$0x18000] =	vst v63  }
0x48: {  	s1 =	rddreg [dreg:$0x15]  }
0x49: {  	[hbm4b:s1+s2] =	stream.linear.scatter [tilespmem:s2], [sflag:$0x1], $0x8000, $0x38;
	[tilespmem:$0x18000] =	vst v63  }
0x4a: {  	s0 =	rddreg [dreg:$0x16]  }
0x4b: {  	[hbm4b:s0+s2] =	stream.linear.scatter [tilespmem:s2], [sflag:$0x1], $0x8000, $0x38;
	[tilespmem:$0x18000] =	vst v63  }
0x4c: {  	s1 =	rddreg [dreg:$0x17]  }
0x4d: {  	[hbm4b:s1+s2] =	stream.linear.scatter [tilespmem:s2], [sflag:$0x1], $0x8000, $0x38;
	[tilespmem:$0x18000] =	vst v63  }
0x4e: {  	s0 =	rddreg [dreg:$0x18]  }
0x4f: {  	[hbm4b:s0+s2] =	stream.linear.scatter [tilespmem:s2], [sflag:$0x1], $0x8000, $0x38;
	[tilespmem:$0x18000] =	vst v63  }
0x50: {  	_ = 	snop  }
0x51: {  	[hbm4b:s24+s2] =	stream.linear.scatter [tilespmem:s2], [sflag:$0x1], $0x8000, $0x38;
	[tilespmem:$0x18000] =	vst v63  }
0x52: {  	_ = 	snop  }
0x53: {  	[hbm4b:s25+s2] =	stream.linear.scatter [tilespmem:s2], [sflag:$0x1], $0x8000, $0x38;
	[tilespmem:$0x18000] =	vst v63  }
0x54: {  	_ = 	snop  }
0x55: {  	[hbm4b:s26+s2] =	stream.linear.scatter [tilespmem:s2], [sflag:$0x1], $0x8000, $0x38;
	[tilespmem:$0x18000] =	vst v63  }
0x56: {  	_ = 	snop  }
0x57: {  	[tilespmem:s9], [sflag:$0x2] =	stream.linear.gather [hbm4b:s28+s2], $0x8000, $0x38;
	[tilespmem:$0x18000] =	vst v63  }
0x58: {  	_ = 	snop  }
0x59: {  	[tilespmem:s10], [sflag:$0x3] =	stream.linear.gather [hbm4b:s29+s2], $0x8000, $0x38;
	[tilespmem:$0x18000] =	vst v63  }
0x5a: {  	_ =	swait.ge [sflag:s14], $0x8000  }
0x5b: {  	[sflag:s14] =	ssyncset.done $0x0  }
0x5c: {  	[sflag:s14] =	ssyncadd.s32 $0xFFFF8000  }
0x5d: {  	[hbm4b:s23+s2] =	stream.linear.scatter [tilespmem:s9], [sflag:$0x4], $0x8000, $0x38;
	[tilespmem:$0x18000] =	vst v63  }
0x5e: {  	_ =	swait.ge [sflag:s8], $0x8000  }
0x5f: {  	[sflag:s8] =	ssyncset.done $0x0  }
0x60: {  	[sflag:s8] =	ssyncadd.s32 $0xFFFF8000  }
0x61: {  	[tilespmem:s9], [sflag:$0x2] =	stream.linear.gather [hbm4b:s22+s2], $0x8000, $0x38;
	[tilespmem:$0x18000] =	vst v63  }
0x62: {  	_ =	swait.ge [sflag:s12], $0x8000  }
0x63: {  	[sflag:s12] =	ssyncset.done $0x0  }
0x64: {  	[sflag:s12] =	ssyncadd.s32 $0xFFFF8000  }
0x65: {  	[hbm4b:s21+s2] =	stream.linear.scatter [tilespmem:s10], [sflag:$0x5], $0x8000, $0x38;
	[tilespmem:$0x18000] =	vst v63  }
0x66: {  	_ =	swait.ge [sflag:s6], $0x8000  }
0x67: {  	[sflag:s6] =	ssyncset.done $0x0  }
0x68: {  	[sflag:s6] =	ssyncadd.s32 $0xFFFF8000  }
0x69: {  	[tilespmem:s10], [sflag:$0x3] =	stream.linear.gather [hbm4b:s20+s2], $0x8000, $0x38;
	[tilespmem:$0x18000] =	vst v63  }
0x6a: {  	_ =	swait.ge [sflag:s14], $0x8000  }
0x6b: {  	[sflag:s14] =	ssyncset.done $0x0  }
0x6c: {  	[sflag:s14] =	ssyncadd.s32 $0xFFFF8000  }
0x6d: {  	[hbm4b:s19+s2] =	stream.linear.scatter [tilespmem:s9], [sflag:$0x4], $0x8000, $0x38;
	[tilespmem:$0x18000] =	vst v63  }
0x6e: {  	_ =	swait.ge [sflag:s8], $0x8000  }
0x6f: {  	[sflag:s8] =	ssyncset.done $0x0  }
0x70: {  	[sflag:s8] =	ssyncadd.s32 $0xFFFF8000  }
0x71: {  	[tilespmem:s9], [sflag:$0x2] =	stream.linear.gather [hbm4b:s18+s2], $0x8000, $0x38;
	[tilespmem:$0x18000] =	vst v63  }
0x72: {  	_ =	swait.ge [sflag:s12], $0x8000  }
0x73: {  	[sflag:s12] =	ssyncset.done $0x0  }
0x74: {  	[sflag:s12] =	ssyncadd.s32 $0xFFFF8000  }
0x75: {  	[hbm4b:s17+s2] =	stream.linear.scatter [tilespmem:s10], [sflag:$0x5], $0x8000, $0x38;
	[tilespmem:$0x18000] =	vst v63  }
0x76: {  	_ =	swait.ge [sflag:s6], $0x8000  }
0x77: {  	[sflag:s6] =	ssyncset.done $0x0  }
0x78: {  	[sflag:s6] =	ssyncadd.s32 $0xFFFF8000  }
0x79: {  	[tilespmem:s10], [sflag:$0x3] =	stream.linear.gather [hbm4b:s16+s2], $0x8000, $0x38;
	[tilespmem:$0x18000] =	vst v63  }
0x7a: {  	_ =	swait.ge [sflag:s14], $0x8000  }
0x7b: {  	[sflag:s14] =	ssyncset.done $0x0  }
0x7c: {  	[sflag:s14] =	ssyncadd.s32 $0xFFFF8000  }
0x7d: {  	[hbm4b:s15+s2] =	stream.linear.scatter [tilespmem:s9], [sflag:$0x4], $0x8000, $0x38;
	[tilespmem:$0x18000] =	vst v63  }
0x7e: {  	_ =	swait.ge [sflag:s8], $0x8000  }
0x7f: {  	[sflag:s8] =	ssyncset.done $0x0  }
0x80: {  	[sflag:s8] =	ssyncadd.s32 $0xFFFF8000  }
0x81: {  	[tilespmem:s9], [sflag:$0x2] =	stream.linear.gather [hbm4b:s13+s2], $0x8000, $0x38;
	[tilespmem:$0x18000] =	vst v63  }
0x82: {  	_ =	swait.ge [sflag:s12], $0x8000  }
0x83: {  	[sflag:s12] =	ssyncset.done $0x0  }
0x84: {  	[sflag:s12] =	ssyncadd.s32 $0xFFFF8000  }
0x85: {  	[hbm4b:s11+s2] =	stream.linear.scatter [tilespmem:s10], [sflag:$0x5], $0x8000, $0x38;
	[tilespmem:$0x18000] =	vst v63  }
0x86: {  	_ =	swait.ge [sflag:s6], $0x8000  }
0x87: {  	[sflag:s6] =	ssyncset.done $0x0  }
0x88: {  	[sflag:s6] =	ssyncadd.s32 $0xFFFF8000  }
0x89: {  	[tilespmem:s10], [sflag:$0x3] =	stream.linear.gather [hbm4b:s7+s2], $0x8000, $0x38;
	[tilespmem:$0x18000] =	vst v63  }
0x8a: {  	_ =	swait.ge [sflag:s14], $0x8000  }
0x8b: {  	[sflag:s14] =	ssyncset.done $0x0  }
0x8c: {  	[sflag:s14] =	ssyncadd.s32 $0xFFFF8000  }
0x8d: {  	[hbm4b:s5+s2] =	stream.linear.scatter [tilespmem:s9], [sflag:$0x4], $0x8000, $0x38;
	[tilespmem:$0x18000] =	vst v63  }
0x8e: {  	_ =	swait.ge [sflag:s12], $0x8000  }
0x8f: {  	[sflag:s12] =	ssyncset.done $0x0  }
0x90: {  	[sflag:s12] =	ssyncadd.s32 $0xFFFF8000  }
0x91: {  	[hbm4b:s4+s2] =	stream.linear.scatter [tilespmem:s10], [sflag:$0x5], $0x8000, $0x38;
	[tilespmem:$0x18000] =	vst v63  }
0x92: {  	_ =	swait.ge [sflag:s8], $0x8000  }
0x93: {  	[sflag:s8] =	ssyncset.done $0x0  }
0x94: {  	[sflag:s8] =	ssyncadd.s32 $0xFFFF8000  }
0x95: {  	_ =	swait.ge [sflag:s6], $0x8000  }
0x96: {  	[sflag:s6] =	ssyncset.done $0x0  }
0x97: {  	[sflag:s6] =	ssyncadd.s32 $0xFFFF8000  }
0x98: {  	_ =	swait.ge [sflag:s3], $0x8000  }
0x99: {  	[sflag:s3] =	ssyncset.done $0x0  }
0x9a: {  	[sflag:s3] =	ssyncadd.s32 $0xFFFF8000  }
0x9b: {  	_ =	swait.ge [sflag:s3], $0x8000  }
0x9c: {  	[sflag:s3] =	ssyncset.done $0x0  }
0x9d: {  	[sflag:s3] =	ssyncadd.s32 $0xFFFF8000  }
0x9e: {  	_ =	swait.ge [sflag:s3], $0x8000  }
0x9f: {  	[sflag:s3] =	ssyncset.done $0x0  }
0xa0: {  	[sflag:s3] =	ssyncadd.s32 $0xFFFF8000  }
0xa1: {  	_ =	swait.ge [sflag:s3], $0x8000  }
0xa2: {  	[sflag:s3] =	ssyncset.done $0x0  }
0xa3: {  	[sflag:s3] =	ssyncadd.s32 $0xFFFF8000  }
0xa4: {  	_ =	swait.ge [sflag:s3], $0x8000  }
0xa5: {  	[sflag:s3] =	ssyncset.done $0x0  }
0xa6: {  	[sflag:s3] =	ssyncadd.s32 $0xFFFF8000  }
0xa7: {  	_ =	swait.ge [sflag:s3], $0x8000  }
0xa8: {  	[sflag:s3] =	ssyncset.done $0x0  }
0xa9: {  	[sflag:s3] =	ssyncadd.s32 $0xFFFF8000  }
0xaa: {  	_ =	swait.ge [sflag:s3], $0x8000  }
0xab: {  	[sflag:s3] =	ssyncset.done $0x0  }
0xac: {  	[sflag:s3] =	ssyncadd.s32 $0xFFFF8000  }
0xad: {  	_ =	swait.ge [sflag:s3], $0x8000  }
0xae: {  	[sflag:s3] =	ssyncset.done $0x0  }
0xaf: {  	[sflag:s3] =	ssyncadd.s32 $0xFFFF8000  }
0xb0: {  	_ =	swait.ge [sflag:s3], $0x8000  }
0xb1: {  	[sflag:s3] =	ssyncset.done $0x0  }
0xb2: {  	[sflag:s3] =	ssyncadd.s32 $0xFFFF8000  }
0xb3: {  	_ =	swait.ge [sflag:s3], $0x8000  }
0xb4: {  	[sflag:s3] =	ssyncset.done $0x0  }
0xb5: {  	[sflag:s3] =	ssyncadd.s32 $0xFFFF8000  }
0xb6: {  	_ =	swait.ge [sflag:s3], $0x8000  }
0xb7: {  	[sflag:s3] =	ssyncset.done $0x0  }
0xb8: {  	[sflag:s3] =	ssyncadd.s32 $0xFFFF8000  }
0xb9: {  	_ =	swait.ge [sflag:s3], $0x8000  }
0xba: {  	[sflag:s3] =	ssyncset.done $0x0  }
0xbb: {  	[sflag:s3] =	ssyncadd.s32 $0xFFFF8000  }
0xbc: {  	_ =	swait.ge [sflag:s3], $0x8000  }
0xbd: {  	[sflag:s3] =	ssyncset.done $0x0  }
0xbe: {  	[sflag:s3] =	ssyncadd.s32 $0xFFFF8000  }
0xbf: {  	_ =	swait.ge [sflag:s3], $0x8000  }
0xc0: {  	[sflag:s3] =	ssyncset.done $0x0  }
0xc1: {  	[sflag:s3] =	ssyncadd.s32 $0xFFFF8000  }
0xc2: {  	_ =	swait.ge [sflag:s3], $0x8000  }
0xc3: {  	[sflag:s3] =	ssyncset.done $0x0  }
0xc4: {  	[sflag:s3] =	ssyncadd.s32 $0xFFFF8000  }
0xc5: {  	_ =	swait.ge [sflag:s3], $0x8000  }
0xc6: {  	[sflag:s3] =	ssyncset.done $0x0  }
0xc7: {  	[sflag:s3] =	ssyncadd.s32 $0xFFFF8000  }
0xc8: {  	_ =	swait.ge [sflag:s3], $0x8000  }
0xc9: {  	[sflag:s3] =	ssyncset.done $0x0  }
0xca: {  	[sflag:s3] =	ssyncadd.s32 $0xFFFF8000  }
0xcb: {  	_ =	swait.ge [sflag:s3], $0x8000  }
0xcc: {  	[sflag:s3] =	ssyncset.done $0x0  }
0xcd: {  	[sflag:s3] =	ssyncadd.s32 $0xFFFF8000  }
0xce: {  	_ =	swait.ge [sflag:s3], $0x8000  }
0xcf: {  	[sflag:s3] =	ssyncset.done $0x0  }
0xd0: {  	[sflag:s3] =	ssyncadd.s32 $0xFFFF8000  }
0xd1: {  	_ =	swait.ge [sflag:s3], $0x8000  }
0xd2: {  	[sflag:s3] =	ssyncset.done $0x0  }
0xd3: {  	[sflag:s3] =	ssyncadd.s32 $0xFFFF8000  }
0xd4: {  	_ =	swait.ge [sflag:s3], $0x8000  }
0xd5: {  	[sflag:s3] =	ssyncset.done $0x0  }
0xd6: {  	[sflag:s3] =	ssyncadd.s32 $0xFFFF8000  }
0xd7: {  	_ =	swait.ge [sflag:s3], $0x8000  }
0xd8: {  	[sflag:s3] =	ssyncset.done $0x0  }
0xd9: {  	[sflag:s3] =	ssyncadd.s32 $0xFFFF8000  }
0xda: {  	_ =	swait.ge [sflag:s3], $0x8000  }
0xdb: {  	s1 =	rddreg [dreg:$0x19]  }
0xdc: {  	p1 =	sne.s32 s1, $0x1  }
.Ltmp1:
0xdd: {  	_ = 	snop;
	(pc) =	sbr.rel @!p1 .LBB2_3-.Ltmp1, $4  }
0xde: {  	[sflag:s3] =	ssyncset.done $0x0  }
0xdf: {  	[sflag:s3] =	ssyncadd.s32 $0xFFFF8000  }
0xe0: {  	p0 =	por $0x1, $0x1;
	_ =	swait.ge [sflag:s3], $0x8000  }
0xe1: {  	s0 =	sadd.s32 $0xFFFFFFFF, s1;
	s1 =	rddreg [dreg:$0x4];
	[sflag:s3] =	ssyncset.done $0x0  }
.LBB2_2:
0xe2: {  	[sflag:s3] =	ssyncadd.s32 $0xFFFF8000  }
0xe3: {  	[tilespmem:s2], [sflag:$0x6] =	stream.linear.gather [hbm4b:s1+s2], $0x8000, $0x38;
	[tilespmem:$0x18000] =	vst v63  }
0xe4: {  	_ =	swait.ge [sflag:s31], $0x8000  }
0xe5: {  	[sflag:s31] =	ssyncset.done $0x0  }
0xe6: {  	s1 =	rddreg [dreg:$0x5];
	[sflag:s31] =	ssyncadd.s32 $0xFFFF8000  }
0xe7: {  	[hbm4b:s30+s2] =	stream.linear.scatter [tilespmem:s2], [sflag:$0x1], $0x8000, $0x38;
	[tilespmem:$0x18000] =	vst v63  }
0xe8: {  	s31 =	smov.u32 s30;
	s30 =	smov.u32 s29;
	s29 =	smov.u32 s28  }
0xe9: {  	s28 =	smov.u32 s26;
	s26 =	smov.u32 s25;
	s25 =	smov.u32 s24  }
0xea: {  	s24 =	smov.u32 s23;
	s23 =	smov.u32 s22;
	s22 =	smov.u32 s21  }
0xeb: {  	s21 =	smov.u32 s20;
	s20 =	smov.u32 s19;
	s19 =	smov.u32 s18  }
0xec: {  	s18 =	smov.u32 s17;
	s17 =	smov.u32 s16;
	s16 =	smov.u32 s15  }
0xed: {  	s15 =	smov.u32 s13;
	s13 =	smov.u32 s11;
	s11 =	smov.u32 s7  }
0xee: {  	[hbm4b:s1+s2] =	stream.linear.scatter [tilespmem:s2], [sflag:$0x1], $0x8000, $0x38;
	[tilespmem:$0x18000] =	vst v63  }
0xef: {  	s7 =	smov.u32 s5;
	s5 =	smov.u32 s4;
	s4 =	rddreg [dreg:$0x6]  }
0xf0: {  	[hbm4b:s4+s2] =	stream.linear.scatter [tilespmem:s2], [sflag:$0x1], $0x8000, $0x38;
	[tilespmem:$0x18000] =	vst v63  }
0xf1: {  	s1 =	rddreg [dreg:$0x7]  }
0xf2: {  	[hbm4b:s1+s2] =	stream.linear.scatter [tilespmem:s2], [sflag:$0x1], $0x8000, $0x38;
	[tilespmem:$0x18000] =	vst v63  }
0xf3: {  	s4 =	rddreg [dreg:$0x8]  }
0xf4: {  	[hbm4b:s4+s2] =	stream.linear.scatter [tilespmem:s2], [sflag:$0x1], $0x8000, $0x38;
	[tilespmem:$0x18000] =	vst v63  }
0xf5: {  	s1 =	rddreg [dreg:$0x9]  }
0xf6: {  	[hbm4b:s1+s2] =	stream.linear.scatter [tilespmem:s2], [sflag:$0x1], $0x8000, $0x38;
	[tilespmem:$0x18000] =	vst v63  }
0xf7: {  	s4 =	rddreg [dreg:$0xa]  }
0xf8: {  	[hbm4b:s4+s2] =	stream.linear.scatter [tilespmem:s2], [sflag:$0x1], $0x8000, $0x38;
	[tilespmem:$0x18000] =	vst v63  }
0xf9: {  	s1 =	rddreg [dreg:$0xb]  }
0xfa: {  	[hbm4b:s1+s2] =	stream.linear.scatter [tilespmem:s2], [sflag:$0x1], $0x8000, $0x38;
	[tilespmem:$0x18000] =	vst v63  }
0xfb: {  	s4 =	rddreg [dreg:$0xc]  }
0xfc: {  	[hbm4b:s4+s2] =	stream.linear.scatter [tilespmem:s2], [sflag:$0x1], $0x8000, $0x38;
	[tilespmem:$0x18000] =	vst v63  }
0xfd: {  	s1 =	rddreg [dreg:$0xd]  }
0xfe: {  	[hbm4b:s1+s2] =	stream.linear.scatter [tilespmem:s2], [sflag:$0x1], $0x8000, $0x38;
	[tilespmem:$0x18000] =	vst v63  }
0xff: {  	s4 =	rddreg [dreg:$0xe]  }
0x100: {  	[hbm4b:s4+s2] =	stream.linear.scatter [tilespmem:s2], [sflag:$0x1], $0x8000, $0x38;
	[tilespmem:$0x18000] =	vst v63  }
0x101: {  	s1 =	rddreg [dreg:$0xf]  }
0x102: {  	[hbm4b:s1+s2] =	stream.linear.scatter [tilespmem:s2], [sflag:$0x1], $0x8000, $0x38;
	[tilespmem:$0x18000] =	vst v63  }
0x103: {  	s4 =	rddreg [dreg:$0x10]  }
0x104: {  	[hbm4b:s4+s2] =	stream.linear.scatter [tilespmem:s2], [sflag:$0x1], $0x8000, $0x38;
	[tilespmem:$0x18000] =	vst v63  }
0x105: {  	s1 =	rddreg [dreg:$0x11]  }
0x106: {  	[hbm4b:s1+s2] =	stream.linear.scatter [tilespmem:s2], [sflag:$0x1], $0x8000, $0x38;
	[tilespmem:$0x18000] =	vst v63  }
0x107: {  	s4 =	rddreg [dreg:$0x12]  }
0x108: {  	[hbm4b:s4+s2] =	stream.linear.scatter [tilespmem:s2], [sflag:$0x1], $0x8000, $0x38;
	[tilespmem:$0x18000] =	vst v63  }
0x109: {  	s1 =	rddreg [dreg:$0x13]  }
0x10a: {  	[hbm4b:s1+s2] =	stream.linear.scatter [tilespmem:s2], [sflag:$0x1], $0x8000, $0x38;
	[tilespmem:$0x18000] =	vst v63  }
0x10b: {  	s4 =	rddreg [dreg:$0x14]  }
0x10c: {  	[hbm4b:s4+s2] =	stream.linear.scatter [tilespmem:s2], [sflag:$0x1], $0x8000, $0x38;
	[tilespmem:$0x18000] =	vst v63  }
0x10d: {  	s1 =	rddreg [dreg:$0x15]  }
0x10e: {  	[hbm4b:s1+s2] =	stream.linear.scatter [tilespmem:s2], [sflag:$0x1], $0x8000, $0x38;
	[tilespmem:$0x18000] =	vst v63  }
0x10f: {  	s4 =	rddreg [dreg:$0x16]  }
0x110: {  	[hbm4b:s4+s2] =	stream.linear.scatter [tilespmem:s2], [sflag:$0x1], $0x8000, $0x38;
	[tilespmem:$0x18000] =	vst v63  }
0x111: {  	s1 =	rddreg [dreg:$0x17]  }
0x112: {  	[hbm4b:s1+s2] =	stream.linear.scatter [tilespmem:s2], [sflag:$0x1], $0x8000, $0x38;
	[tilespmem:$0x18000] =	vst v63  }
0x113: {  	s4 =	rddreg [dreg:$0x18]  }
0x114: {  	[hbm4b:s4+s2] =	stream.linear.scatter [tilespmem:s2], [sflag:$0x1], $0x8000, $0x38;
	[tilespmem:$0x18000] =	vst v63  }
0x115: {  	s4 =	smov.u32 s5;
	s5 =	smov.u32 s7;
	s7 =	smov.u32 s11  }
0x116: {  	s11 =	smov.u32 s13;
	s13 =	smov.u32 s15;
	s15 =	smov.u32 s16  }
0x117: {  	s16 =	smov.u32 s17;
	s17 =	smov.u32 s18;
	s18 =	smov.u32 s19  }
0x118: {  	s19 =	smov.u32 s20;
	s20 =	smov.u32 s21;
	s21 =	smov.u32 s22  }
0x119: {  	s22 =	smov.u32 s23;
	s23 =	smov.u32 s24;
	s24 =	smov.u32 s25  }
0x11a: {  	[hbm4b:s24+s2] =	stream.linear.scatter [tilespmem:s2], [sflag:$0x1], $0x8000, $0x38;
	[tilespmem:$0x18000] =	vst v63  }
0x11b: {  	s25 =	smov.u32 s26  }
0x11c: {  	[hbm4b:s25+s2] =	stream.linear.scatter [tilespmem:s2], [sflag:$0x1], $0x8000, $0x38;
	[tilespmem:$0x18000] =	vst v63  }
0x11d: {  	s26 =	smov.u32 s28  }
0x11e: {  	[hbm4b:s26+s2] =	stream.linear.scatter [tilespmem:s2], [sflag:$0x1], $0x8000, $0x38;
	[tilespmem:$0x18000] =	vst v63  }
0x11f: {  	s28 =	smov.u32 s29  }
0x120: {  	[tilespmem:s9], [sflag:$0x2] =	stream.linear.gather [hbm4b:s28+s2], $0x8000, $0x38;
	[tilespmem:$0x18000] =	vst v63  }
0x121: {  	s29 =	smov.u32 s30  }
0x122: {  	[tilespmem:s10], [sflag:$0x3] =	stream.linear.gather [hbm4b:s29+s2], $0x8000, $0x38;
	[tilespmem:$0x18000] =	vst v63  }
0x123: {  	_ =	swait.ge [sflag:s14], $0x8000  }
0x124: {  	[sflag:s14] =	ssyncset.done $0x0  }
0x125: {  	[sflag:s14] =	ssyncadd.s32 $0xFFFF8000  }
0x126: {  	[hbm4b:s23+s2] =	stream.linear.scatter [tilespmem:s9], [sflag:$0x4], $0x8000, $0x38;
	[tilespmem:$0x18000] =	vst v63  }
0x127: {  	_ =	swait.ge [sflag:s8], $0x8000  }
0x128: {  	[sflag:s8] =	ssyncset.done $0x0  }
0x129: {  	[sflag:s8] =	ssyncadd.s32 $0xFFFF8000  }
0x12a: {  	[tilespmem:s9], [sflag:$0x2] =	stream.linear.gather [hbm4b:s22+s2], $0x8000, $0x38;
	[tilespmem:$0x18000] =	vst v63  }
0x12b: {  	_ =	swait.ge [sflag:s12], $0x8000  }
0x12c: {  	[sflag:s12] =	ssyncset.done $0x0  }
0x12d: {  	[sflag:s12] =	ssyncadd.s32 $0xFFFF8000  }
0x12e: {  	[hbm4b:s21+s2] =	stream.linear.scatter [tilespmem:s10], [sflag:$0x5], $0x8000, $0x38;
	[tilespmem:$0x18000] =	vst v63  }
0x12f: {  	_ =	swait.ge [sflag:s6], $0x8000  }
0x130: {  	[sflag:s6] =	ssyncset.done $0x0  }
0x131: {  	[sflag:s6] =	ssyncadd.s32 $0xFFFF8000  }
0x132: {  	[tilespmem:s10], [sflag:$0x3] =	stream.linear.gather [hbm4b:s20+s2], $0x8000, $0x38;
	[tilespmem:$0x18000] =	vst v63  }
0x133: {  	_ =	swait.ge [sflag:s14], $0x8000  }
0x134: {  	[sflag:s14] =	ssyncset.done $0x0  }
0x135: {  	[sflag:s14] =	ssyncadd.s32 $0xFFFF8000  }
0x136: {  	[hbm4b:s19+s2] =	stream.linear.scatter [tilespmem:s9], [sflag:$0x4], $0x8000, $0x38;
	[tilespmem:$0x18000] =	vst v63  }
0x137: {  	_ =	swait.ge [sflag:s8], $0x8000  }
0x138: {  	[sflag:s8] =	ssyncset.done $0x0  }
0x139: {  	[sflag:s8] =	ssyncadd.s32 $0xFFFF8000  }
0x13a: {  	[tilespmem:s9], [sflag:$0x2] =	stream.linear.gather [hbm4b:s18+s2], $0x8000, $0x38;
	[tilespmem:$0x18000] =	vst v63  }
0x13b: {  	_ =	swait.ge [sflag:s12], $0x8000  }
0x13c: {  	[sflag:s12] =	ssyncset.done $0x0  }
0x13d: {  	[sflag:s12] =	ssyncadd.s32 $0xFFFF8000  }
0x13e: {  	[hbm4b:s17+s2] =	stream.linear.scatter [tilespmem:s10], [sflag:$0x5], $0x8000, $0x38;
	[tilespmem:$0x18000] =	vst v63  }
0x13f: {  	_ =	swait.ge [sflag:s6], $0x8000  }
0x140: {  	[sflag:s6] =	ssyncset.done $0x0  }
0x141: {  	[sflag:s6] =	ssyncadd.s32 $0xFFFF8000  }
0x142: {  	[tilespmem:s10], [sflag:$0x3] =	stream.linear.gather [hbm4b:s16+s2], $0x8000, $0x38;
	[tilespmem:$0x18000] =	vst v63  }
0x143: {  	_ =	swait.ge [sflag:s14], $0x8000  }
0x144: {  	[sflag:s14] =	ssyncset.done $0x0  }
0x145: {  	[sflag:s14] =	ssyncadd.s32 $0xFFFF8000  }
0x146: {  	[hbm4b:s15+s2] =	stream.linear.scatter [tilespmem:s9], [sflag:$0x4], $0x8000, $0x38;
	[tilespmem:$0x18000] =	vst v63  }
0x147: {  	_ =	swait.ge [sflag:s8], $0x8000  }
0x148: {  	[sflag:s8] =	ssyncset.done $0x0  }
0x149: {  	[sflag:s8] =	ssyncadd.s32 $0xFFFF8000  }
0x14a: {  	[tilespmem:s9], [sflag:$0x2] =	stream.linear.gather [hbm4b:s13+s2], $0x8000, $0x38;
	[tilespmem:$0x18000] =	vst v63  }
0x14b: {  	_ =	swait.ge [sflag:s12], $0x8000  }
0x14c: {  	[sflag:s12] =	ssyncset.done $0x0  }
0x14d: {  	[sflag:s12] =	ssyncadd.s32 $0xFFFF8000  }
0x14e: {  	[hbm4b:s11+s2] =	stream.linear.scatter [tilespmem:s10], [sflag:$0x5], $0x8000, $0x38;
	[tilespmem:$0x18000] =	vst v63  }
0x14f: {  	_ =	swait.ge [sflag:s6], $0x8000  }
0x150: {  	[sflag:s6] =	ssyncset.done $0x0  }
0x151: {  	[sflag:s6] =	ssyncadd.s32 $0xFFFF8000  }
0x152: {  	[tilespmem:s10], [sflag:$0x3] =	stream.linear.gather [hbm4b:s7+s2], $0x8000, $0x38;
	[tilespmem:$0x18000] =	vst v63  }
0x153: {  	_ =	swait.ge [sflag:s14], $0x8000  }
0x154: {  	[sflag:s14] =	ssyncset.done $0x0  }
0x155: {  	[sflag:s14] =	ssyncadd.s32 $0xFFFF8000  }
0x156: {  	[hbm4b:s5+s2] =	stream.linear.scatter [tilespmem:s9], [sflag:$0x4], $0x8000, $0x38;
	[tilespmem:$0x18000] =	vst v63  }
0x157: {  	_ =	swait.ge [sflag:s12], $0x8000  }
0x158: {  	[sflag:s12] =	ssyncset.done $0x0  }
0x159: {  	[sflag:s12] =	ssyncadd.s32 $0xFFFF8000  }
0x15a: {  	[hbm4b:s4+s2] =	stream.linear.scatter [tilespmem:s10], [sflag:$0x5], $0x8000, $0x38;
	[tilespmem:$0x18000] =	vst v63  }
0x15b: {  	_ =	swait.ge [sflag:s8], $0x8000  }
0x15c: {  	[sflag:s8] =	ssyncset.done $0x0  }
0x15d: {  	[sflag:s8] =	ssyncadd.s32 $0xFFFF8000  }
0x15e: {  	_ =	swait.ge [sflag:s6], $0x8000  }
0x15f: {  	[sflag:s6] =	ssyncset.done $0x0  }
0x160: {  	[sflag:s6] =	ssyncadd.s32 $0xFFFF8000  }
0x161: {  	_ =	swait.ge [sflag:s3], $0x8000  }
0x162: {  	[sflag:s3] =	ssyncset.done $0x0  }
0x163: {  	[sflag:s3] =	ssyncadd.s32 $0xFFFF8000  }
0x164: {  	_ =	swait.ge [sflag:s3], $0x8000  }
0x165: {  	[sflag:s3] =	ssyncset.done $0x0  }
0x166: {  	[sflag:s3] =	ssyncadd.s32 $0xFFFF8000  }
0x167: {  	_ =	swait.ge [sflag:s3], $0x8000  }
0x168: {  	[sflag:s3] =	ssyncset.done $0x0  }
0x169: {  	[sflag:s3] =	ssyncadd.s32 $0xFFFF8000  }
0x16a: {  	_ =	swait.ge [sflag:s3], $0x8000  }
0x16b: {  	[sflag:s3] =	ssyncset.done $0x0  }
0x16c: {  	[sflag:s3] =	ssyncadd.s32 $0xFFFF8000  }
0x16d: {  	_ =	swait.ge [sflag:s3], $0x8000  }
0x16e: {  	[sflag:s3] =	ssyncset.done $0x0  }
0x16f: {  	[sflag:s3] =	ssyncadd.s32 $0xFFFF8000  }
0x170: {  	_ =	swait.ge [sflag:s3], $0x8000  }
0x171: {  	[sflag:s3] =	ssyncset.done $0x0  }
0x172: {  	[sflag:s3] =	ssyncadd.s32 $0xFFFF8000  }
0x173: {  	_ =	swait.ge [sflag:s3], $0x8000  }
0x174: {  	[sflag:s3] =	ssyncset.done $0x0  }
0x175: {  	[sflag:s3] =	ssyncadd.s32 $0xFFFF8000  }
0x176: {  	_ =	swait.ge [sflag:s3], $0x8000  }
0x177: {  	[sflag:s3] =	ssyncset.done $0x0  }
0x178: {  	[sflag:s3] =	ssyncadd.s32 $0xFFFF8000  }
0x179: {  	_ =	swait.ge [sflag:s3], $0x8000  }
0x17a: {  	[sflag:s3] =	ssyncset.done $0x0  }
0x17b: {  	[sflag:s3] =	ssyncadd.s32 $0xFFFF8000  }
0x17c: {  	_ =	swait.ge [sflag:s3], $0x8000  }
0x17d: {  	[sflag:s3] =	ssyncset.done $0x0  }
0x17e: {  	[sflag:s3] =	ssyncadd.s32 $0xFFFF8000  }
0x17f: {  	_ =	swait.ge [sflag:s3], $0x8000  }
0x180: {  	[sflag:s3] =	ssyncset.done $0x0  }
0x181: {  	[sflag:s3] =	ssyncadd.s32 $0xFFFF8000  }
0x182: {  	_ =	swait.ge [sflag:s3], $0x8000  }
0x183: {  	[sflag:s3] =	ssyncset.done $0x0  }
0x184: {  	[sflag:s3] =	ssyncadd.s32 $0xFFFF8000  }
0x185: {  	_ =	swait.ge [sflag:s3], $0x8000  }
0x186: {  	[sflag:s3] =	ssyncset.done $0x0  }
0x187: {  	[sflag:s3] =	ssyncadd.s32 $0xFFFF8000  }
0x188: {  	_ =	swait.ge [sflag:s3], $0x8000  }
0x189: {  	[sflag:s3] =	ssyncset.done $0x0  }
0x18a: {  	[sflag:s3] =	ssyncadd.s32 $0xFFFF8000  }
0x18b: {  	_ =	swait.ge [sflag:s3], $0x8000  }
0x18c: {  	[sflag:s3] =	ssyncset.done $0x0  }
0x18d: {  	[sflag:s3] =	ssyncadd.s32 $0xFFFF8000  }
0x18e: {  	_ =	swait.ge [sflag:s3], $0x8000  }
0x18f: {  	[sflag:s3] =	ssyncset.done $0x0  }
0x190: {  	[sflag:s3] =	ssyncadd.s32 $0xFFFF8000  }
0x191: {  	_ =	swait.ge [sflag:s3], $0x8000  }
0x192: {  	[sflag:s3] =	ssyncset.done $0x0  }
0x193: {  	[sflag:s3] =	ssyncadd.s32 $0xFFFF8000  }
0x194: {  	_ =	swait.ge [sflag:s3], $0x8000  }
0x195: {  	[sflag:s3] =	ssyncset.done $0x0  }
0x196: {  	[sflag:s3] =	ssyncadd.s32 $0xFFFF8000  }
0x197: {  	_ =	swait.ge [sflag:s3], $0x8000  }
0x198: {  	[sflag:s3] =	ssyncset.done $0x0  }
0x199: {  	[sflag:s3] =	ssyncadd.s32 $0xFFFF8000  }
0x19a: {  	_ =	swait.ge [sflag:s3], $0x8000  }
0x19b: {  	[sflag:s3] =	ssyncset.done $0x0  }
0x19c: {  	[sflag:s3] =	ssyncadd.s32 $0xFFFF8000  }
0x19d: {  	_ =	swait.ge [sflag:s3], $0x8000  }
0x19e: {  	[sflag:s3] =	ssyncset.done $0x0  }
0x19f: {  	[sflag:s3] =	ssyncadd.s32 $0xFFFF8000  }
0x1a0: {  	_ =	swait.ge [sflag:s3], $0x8000  }
0x1a1: {  	[sflag:s3] =	ssyncset.done $0x0  }
0x1a2: {  	p1 =	sne.s32 s0, $0x1;
	[sflag:s3] =	ssyncadd.s32 $0xFFFF8000  }
.Ltmp2:
0x1a3: {  	_ =	swait.ge [sflag:s3], $0x8000;
	(pc) =	sbr.rel @p1 .LBB2_2-.Ltmp2, $4  }
0x1a4: {  	[sflag:s3] =	ssyncset.done $0x0  }
0x1a5: {  	[sflag:s3] =	ssyncadd.s32 $0xFFFF8000  }
0x1a6: {  	s0 =	sadd.s32 $0xFFFFFFFF, s0;
	s30 =	smov.u32 s31;
	_ =	swait.ge [sflag:s3], $0x8000  }
0x1a7: {  	s31 =	simm.s32 $0x6;
	s1 =	rddreg [dreg:$0x4];
	[sflag:s3] =	ssyncset.done $0x0  }
.LBB2_3:
0x1a8: {  	[sflag:s3] =	ssyncadd.s32 @p0 $0xFFFF8000  }
0x1a9: {  	[tilespmem:s2], [sflag:$0x6] =	stream.linear.gather [hbm4b:s1+s2], $0x8000, $0x38;
	[tilespmem:$0x18000] =	vst v63  }
0x1aa: {  	_ =	swait.ge [sflag:s31], $0x8000  }
0x1ab: {  	[sflag:s31] =	ssyncset.done $0x0  }
0x1ac: {  	[sflag:s31] =	ssyncadd.s32 $0xFFFF8000  }
0x1ad: {  	[hbm4b:s30+s2] =	stream.linear.scatter [tilespmem:s2], [sflag:$0x1], $0x8000, $0x38;
	[tilespmem:$0x18000] =	vst v63  }
0x1ae: {  	s0 =	rddreg [dreg:$0x5]  }
0x1af: {  	[hbm4b:s0+s2] =	stream.linear.scatter [tilespmem:s2], [sflag:$0x1], $0x8000, $0x38;
	[tilespmem:$0x18000] =	vst v63  }
0x1b0: {  	s30 =	rddreg [dreg:$0x6]  }
0x1b1: {  	[hbm4b:s30+s2] =	stream.linear.scatter [tilespmem:s2], [sflag:$0x1], $0x8000, $0x38;
	[tilespmem:$0x18000] =	vst v63  }
0x1b2: {  	s31 =	rddreg [dreg:$0x7]  }
0x1b3: {  	[hbm4b:s31+s2] =	stream.linear.scatter [tilespmem:s2], [sflag:$0x1], $0x8000, $0x38;
	[tilespmem:$0x18000] =	vst v63  }
0x1b4: {  	s30 =	rddreg [dreg:$0x8]  }
0x1b5: {  	[hbm4b:s30+s2] =	stream.linear.scatter [tilespmem:s2], [sflag:$0x1], $0x8000, $0x38;
	[tilespmem:$0x18000] =	vst v63  }
0x1b6: {  	s31 =	rddreg [dreg:$0x9]  }
0x1b7: {  	[hbm4b:s31+s2] =	stream.linear.scatter [tilespmem:s2], [sflag:$0x1], $0x8000, $0x38;
	[tilespmem:$0x18000] =	vst v63  }
0x1b8: {  	s30 =	rddreg [dreg:$0xa]  }
0x1b9: {  	[hbm4b:s30+s2] =	stream.linear.scatter [tilespmem:s2], [sflag:$0x1], $0x8000, $0x38;
	[tilespmem:$0x18000] =	vst v63  }
0x1ba: {  	s31 =	rddreg [dreg:$0xb]  }
0x1bb: {  	[hbm4b:s31+s2] =	stream.linear.scatter [tilespmem:s2], [sflag:$0x1], $0x8000, $0x38;
	[tilespmem:$0x18000] =	vst v63  }
0x1bc: {  	s30 =	rddreg [dreg:$0xc]  }
0x1bd: {  	[hbm4b:s30+s2] =	stream.linear.scatter [tilespmem:s2], [sflag:$0x1], $0x8000, $0x38;
	[tilespmem:$0x18000] =	vst v63  }
0x1be: {  	s31 =	rddreg [dreg:$0xd]  }
0x1bf: {  	[hbm4b:s31+s2] =	stream.linear.scatter [tilespmem:s2], [sflag:$0x1], $0x8000, $0x38;
	[tilespmem:$0x18000] =	vst v63  }
0x1c0: {  	s30 =	rddreg [dreg:$0xe]  }
0x1c1: {  	[hbm4b:s30+s2] =	stream.linear.scatter [tilespmem:s2], [sflag:$0x1], $0x8000, $0x38;
	[tilespmem:$0x18000] =	vst v63  }
0x1c2: {  	s31 =	rddreg [dreg:$0xf]  }
0x1c3: {  	[hbm4b:s31+s2] =	stream.linear.scatter [tilespmem:s2], [sflag:$0x1], $0x8000, $0x38;
	[tilespmem:$0x18000] =	vst v63  }
0x1c4: {  	s30 =	rddreg [dreg:$0x10]  }
0x1c5: {  	[hbm4b:s30+s2] =	stream.linear.scatter [tilespmem:s2], [sflag:$0x1], $0x8000, $0x38;
	[tilespmem:$0x18000] =	vst v63  }
0x1c6: {  	s31 =	rddreg [dreg:$0x11]  }
0x1c7: {  	[hbm4b:s31+s2] =	stream.linear.scatter [tilespmem:s2], [sflag:$0x1], $0x8000, $0x38;
	[tilespmem:$0x18000] =	vst v63  }
0x1c8: {  	s30 =	rddreg [dreg:$0x12]  }
0x1c9: {  	[hbm4b:s30+s2] =	stream.linear.scatter [tilespmem:s2], [sflag:$0x1], $0x8000, $0x38;
	[tilespmem:$0x18000] =	vst v63  }
0x1ca: {  	s31 =	rddreg [dreg:$0x13]  }
0x1cb: {  	[hbm4b:s31+s2] =	stream.linear.scatter [tilespmem:s2], [sflag:$0x1], $0x8000, $0x38;
	[tilespmem:$0x18000] =	vst v63  }
0x1cc: {  	s30 =	rddreg [dreg:$0x14]  }
0x1cd: {  	[hbm4b:s30+s2] =	stream.linear.scatter [tilespmem:s2], [sflag:$0x1], $0x8000, $0x38;
	[tilespmem:$0x18000] =	vst v63  }
0x1ce: {  	s31 =	rddreg [dreg:$0x15]  }
0x1cf: {  	[hbm4b:s31+s2] =	stream.linear.scatter [tilespmem:s2], [sflag:$0x1], $0x8000, $0x38;
	[tilespmem:$0x18000] =	vst v63  }
0x1d0: {  	s30 =	rddreg [dreg:$0x16]  }
0x1d1: {  	[hbm4b:s30+s2] =	stream.linear.scatter [tilespmem:s2], [sflag:$0x1], $0x8000, $0x38;
	[tilespmem:$0x18000] =	vst v63  }
0x1d2: {  	s31 =	rddreg [dreg:$0x17]  }
0x1d3: {  	[hbm4b:s31+s2] =	stream.linear.scatter [tilespmem:s2], [sflag:$0x1], $0x8000, $0x38;
	[tilespmem:$0x18000] =	vst v63  }
0x1d4: {  	s30 =	rddreg [dreg:$0x18]  }
0x1d5: {  	[hbm4b:s30+s2] =	stream.linear.scatter [tilespmem:s2], [sflag:$0x1], $0x8000, $0x38;
	[tilespmem:$0x18000] =	vst v63  }
0x1d6: {  	_ = 	snop  }
0x1d7: {  	[hbm4b:s24+s2] =	stream.linear.scatter [tilespmem:s2], [sflag:$0x1], $0x8000, $0x38;
	[tilespmem:$0x18000] =	vst v63  }
0x1d8: {  	_ = 	snop  }
0x1d9: {  	[hbm4b:s25+s2] =	stream.linear.scatter [tilespmem:s2], [sflag:$0x1], $0x8000, $0x38;
	[tilespmem:$0x18000] =	vst v63  }
0x1da: {  	_ = 	snop  }
0x1db: {  	[hbm4b:s26+s2] =	stream.linear.scatter [tilespmem:s2], [sflag:$0x1], $0x8000, $0x38;
	[tilespmem:$0x18000] =	vst v63  }
0x1dc: {  	_ = 	snop  }
0x1dd: {  	[tilespmem:s9], [sflag:$0x2] =	stream.linear.gather [hbm4b:s28+s2], $0x8000, $0x38;
	[tilespmem:$0x18000] =	vst v63  }
0x1de: {  	_ = 	snop  }
0x1df: {  	[tilespmem:s10], [sflag:$0x3] =	stream.linear.gather [hbm4b:s29+s2], $0x8000, $0x38;
	[tilespmem:$0x18000] =	vst v63  }
0x1e0: {  	_ =	swait.ge [sflag:s14], $0x8000  }
0x1e1: {  	[sflag:s14] =	ssyncset.done $0x0  }
0x1e2: {  	[sflag:s14] =	ssyncadd.s32 $0xFFFF8000  }
0x1e3: {  	[hbm4b:s23+s2] =	stream.linear.scatter [tilespmem:s9], [sflag:$0x4], $0x8000, $0x38;
	[tilespmem:$0x18000] =	vst v63  }
0x1e4: {  	_ =	swait.ge [sflag:s8], $0x8000  }
0x1e5: {  	[sflag:s8] =	ssyncset.done $0x0  }
0x1e6: {  	[sflag:s8] =	ssyncadd.s32 $0xFFFF8000  }
0x1e7: {  	[tilespmem:s9], [sflag:$0x2] =	stream.linear.gather [hbm4b:s22+s2], $0x8000, $0x38;
	[tilespmem:$0x18000] =	vst v63  }
0x1e8: {  	_ =	swait.ge [sflag:s12], $0x8000  }
0x1e9: {  	[sflag:s12] =	ssyncset.done $0x0  }
0x1ea: {  	[sflag:s12] =	ssyncadd.s32 $0xFFFF8000  }
0x1eb: {  	[hbm4b:s21+s2] =	stream.linear.scatter [tilespmem:s10], [sflag:$0x5], $0x8000, $0x38;
	[tilespmem:$0x18000] =	vst v63  }
0x1ec: {  	_ =	swait.ge [sflag:s6], $0x8000  }
0x1ed: {  	[sflag:s6] =	ssyncset.done $0x0  }
0x1ee: {  	[sflag:s6] =	ssyncadd.s32 $0xFFFF8000  }
0x1ef: {  	[tilespmem:s10], [sflag:$0x3] =	stream.linear.gather [hbm4b:s20+s2], $0x8000, $0x38;
	[tilespmem:$0x18000] =	vst v63  }
0x1f0: {  	_ =	swait.ge [sflag:s14], $0x8000  }
0x1f1: {  	[sflag:s14] =	ssyncset.done $0x0  }
0x1f2: {  	[sflag:s14] =	ssyncadd.s32 $0xFFFF8000  }
0x1f3: {  	[hbm4b:s19+s2] =	stream.linear.scatter [tilespmem:s9], [sflag:$0x4], $0x8000, $0x38;
	[tilespmem:$0x18000] =	vst v63  }
0x1f4: {  	_ =	swait.ge [sflag:s8], $0x8000  }
0x1f5: {  	[sflag:s8] =	ssyncset.done $0x0  }
0x1f6: {  	[sflag:s8] =	ssyncadd.s32 $0xFFFF8000  }
0x1f7: {  	[tilespmem:s9], [sflag:$0x2] =	stream.linear.gather [hbm4b:s18+s2], $0x8000, $0x38;
	[tilespmem:$0x18000] =	vst v63  }
0x1f8: {  	_ =	swait.ge [sflag:s12], $0x8000  }
0x1f9: {  	[sflag:s12] =	ssyncset.done $0x0  }
0x1fa: {  	[sflag:s12] =	ssyncadd.s32 $0xFFFF8000  }
0x1fb: {  	[hbm4b:s17+s2] =	stream.linear.scatter [tilespmem:s10], [sflag:$0x5], $0x8000, $0x38;
	[tilespmem:$0x18000] =	vst v63  }
0x1fc: {  	_ =	swait.ge [sflag:s6], $0x8000  }
0x1fd: {  	[sflag:s6] =	ssyncset.done $0x0  }
0x1fe: {  	[sflag:s6] =	ssyncadd.s32 $0xFFFF8000  }
0x1ff: {  	[tilespmem:s10], [sflag:$0x3] =	stream.linear.gather [hbm4b:s16+s2], $0x8000, $0x38;
	[tilespmem:$0x18000] =	vst v63  }
0x200: {  	_ =	swait.ge [sflag:s14], $0x8000  }
0x201: {  	[sflag:s14] =	ssyncset.done $0x0  }
0x202: {  	[sflag:s14] =	ssyncadd.s32 $0xFFFF8000  }
0x203: {  	[hbm4b:s15+s2] =	stream.linear.scatter [tilespmem:s9], [sflag:$0x4], $0x8000, $0x38;
	[tilespmem:$0x18000] =	vst v63  }
0x204: {  	_ =	swait.ge [sflag:s8], $0x8000  }
0x205: {  	[sflag:s8] =	ssyncset.done $0x0  }
0x206: {  	[sflag:s8] =	ssyncadd.s32 $0xFFFF8000  }
0x207: {  	[tilespmem:s9], [sflag:$0x2] =	stream.linear.gather [hbm4b:s13+s2], $0x8000, $0x38;
	[tilespmem:$0x18000] =	vst v63  }
0x208: {  	_ =	swait.ge [sflag:s12], $0x8000  }
0x209: {  	[sflag:s12] =	ssyncset.done $0x0  }
0x20a: {  	[sflag:s12] =	ssyncadd.s32 $0xFFFF8000  }
0x20b: {  	[hbm4b:s11+s2] =	stream.linear.scatter [tilespmem:s10], [sflag:$0x5], $0x8000, $0x38;
	[tilespmem:$0x18000] =	vst v63  }
0x20c: {  	_ =	swait.ge [sflag:s6], $0x8000  }
0x20d: {  	[sflag:s6] =	ssyncset.done $0x0  }
0x20e: {  	[sflag:s6] =	ssyncadd.s32 $0xFFFF8000  }
0x20f: {  	[tilespmem:s10], [sflag:$0x3] =	stream.linear.gather [hbm4b:s7+s2], $0x8000, $0x38;
	[tilespmem:$0x18000] =	vst v63  }
0x210: {  	_ =	swait.ge [sflag:s14], $0x8000  }
0x211: {  	[sflag:s14] =	ssyncset.done $0x0  }
0x212: {  	[sflag:s14] =	ssyncadd.s32 $0xFFFF8000  }
0x213: {  	[hbm4b:s5+s2] =	stream.linear.scatter [tilespmem:s9], [sflag:$0x4], $0x8000, $0x38;
	[tilespmem:$0x18000] =	vst v63  }
0x214: {  	_ =	swait.ge [sflag:s12], $0x8000  }
0x215: {  	[sflag:s12] =	ssyncset.done $0x0  }
0x216: {  	[sflag:s12] =	ssyncadd.s32 $0xFFFF8000  }
0x217: {  	[hbm4b:s4+s2] =	stream.linear.scatter [tilespmem:s10], [sflag:$0x5], $0x8000, $0x38;
	[tilespmem:$0x18000] =	vst v63  }
0x218: {  	_ =	swait.ge [sflag:s8], $0x8000  }
0x219: {  	[sflag:s8] =	ssyncset.done $0x0  }
0x21a: {  	[sflag:s8] =	ssyncadd.s32 $0xFFFF8000  }
0x21b: {  	_ =	swait.ge [sflag:s6], $0x8000  }
0x21c: {  	[sflag:s6] =	ssyncset.done $0x0  }
0x21d: {  	[sflag:s6] =	ssyncadd.s32 $0xFFFF8000  }
0x21e: {  	_ =	swait.ge [sflag:s3], $0x8000  }
0x21f: {  	[sflag:s3] =	ssyncset.done $0x0  }
0x220: {  	[sflag:s3] =	ssyncadd.s32 $0xFFFF8000  }
0x221: {  	_ =	swait.ge [sflag:s3], $0x8000  }
0x222: {  	[sflag:s3] =	ssyncset.done $0x0  }
0x223: {  	[sflag:s3] =	ssyncadd.s32 $0xFFFF8000  }
0x224: {  	_ =	swait.ge [sflag:s3], $0x8000  }
0x225: {  	[sflag:s3] =	ssyncset.done $0x0  }
0x226: {  	[sflag:s3] =	ssyncadd.s32 $0xFFFF8000  }
0x227: {  	_ =	swait.ge [sflag:s3], $0x8000  }
0x228: {  	[sflag:s3] =	ssyncset.done $0x0  }
0x229: {  	[sflag:s3] =	ssyncadd.s32 $0xFFFF8000  }
0x22a: {  	_ =	swait.ge [sflag:s3], $0x8000  }
0x22b: {  	[sflag:s3] =	ssyncset.done $0x0  }
0x22c: {  	[sflag:s3] =	ssyncadd.s32 $0xFFFF8000  }
0x22d: {  	_ =	swait.ge [sflag:s3], $0x8000  }
0x22e: {  	[sflag:s3] =	ssyncset.done $0x0  }
0x22f: {  	[sflag:s3] =	ssyncadd.s32 $0xFFFF8000  }
0x230: {  	_ =	swait.ge [sflag:s3], $0x8000  }
0x231: {  	[sflag:s3] =	ssyncset.done $0x0  }
0x232: {  	[sflag:s3] =	ssyncadd.s32 $0xFFFF8000  }
0x233: {  	_ =	swait.ge [sflag:s3], $0x8000  }
0x234: {  	[sflag:s3] =	ssyncset.done $0x0  }
0x235: {  	[sflag:s3] =	ssyncadd.s32 $0xFFFF8000  }
0x236: {  	_ =	swait.ge [sflag:s3], $0x8000  }
0x237: {  	[sflag:s3] =	ssyncset.done $0x0  }
0x238: {  	[sflag:s3] =	ssyncadd.s32 $0xFFFF8000  }
0x239: {  	_ =	swait.ge [sflag:s3], $0x8000  }
0x23a: {  	[sflag:s3] =	ssyncset.done $0x0  }
0x23b: {  	[sflag:s3] =	ssyncadd.s32 $0xFFFF8000  }
0x23c: {  	_ =	swait.ge [sflag:s3], $0x8000  }
0x23d: {  	[sflag:s3] =	ssyncset.done $0x0  }
0x23e: {  	[sflag:s3] =	ssyncadd.s32 $0xFFFF8000  }
0x23f: {  	_ =	swait.ge [sflag:s3], $0x8000  }
0x240: {  	[sflag:s3] =	ssyncset.done $0x0  }
0x241: {  	[sflag:s3] =	ssyncadd.s32 $0xFFFF8000  }
0x242: {  	_ =	swait.ge [sflag:s3], $0x8000  }
0x243: {  	[sflag:s3] =	ssyncset.done $0x0  }
0x244: {  	[sflag:s3] =	ssyncadd.s32 $0xFFFF8000  }
0x245: {  	_ =	swait.ge [sflag:s3], $0x8000  }
0x246: {  	[sflag:s3] =	ssyncset.done $0x0  }
0x247: {  	[sflag:s3] =	ssyncadd.s32 $0xFFFF8000  }
0x248: {  	_ =	swait.ge [sflag:s3], $0x8000  }
0x249: {  	[sflag:s3] =	ssyncset.done $0x0  }
0x24a: {  	[sflag:s3] =	ssyncadd.s32 $0xFFFF8000  }
0x24b: {  	_ =	swait.ge [sflag:s3], $0x8000  }
0x24c: {  	[sflag:s3] =	ssyncset.done $0x0  }
0x24d: {  	[sflag:s3] =	ssyncadd.s32 $0xFFFF8000  }
0x24e: {  	_ =	swait.ge [sflag:s3], $0x8000  }
0x24f: {  	[sflag:s3] =	ssyncset.done $0x0  }
0x250: {  	[sflag:s3] =	ssyncadd.s32 $0xFFFF8000  }
0x251: {  	_ =	swait.ge [sflag:s3], $0x8000  }
0x252: {  	[sflag:s3] =	ssyncset.done $0x0  }
0x253: {  	[sflag:s3] =	ssyncadd.s32 $0xFFFF8000  }
0x254: {  	_ =	swait.ge [sflag:s3], $0x8000  }
0x255: {  	[sflag:s3] =	ssyncset.done $0x0  }
0x256: {  	[sflag:s3] =	ssyncadd.s32 $0xFFFF8000  }
0x257: {  	_ =	swait.ge [sflag:s3], $0x8000  }
0x258: {  	[sflag:s3] =	ssyncset.done $0x0  }
0x259: {  	[sflag:s3] =	ssyncadd.s32 $0xFFFF8000  }
0x25a: {  	_ =	swait.ge [sflag:s3], $0x8000  }
0x25b: {  	[sflag:s3] =	ssyncset.done $0x0  }
0x25c: {  	[sflag:s3] =	ssyncadd.s32 $0xFFFF8000  }
0x25d: {  	_ =	swait.ge [sflag:s3], $0x8000  }
0x25e: {  	[sflag:s3] =	ssyncset.done $0x0  }
0x25f: {  	[sflag:s3] =	ssyncadd.s32 $0xFFFF8000  }
0x260: {  	_ =	swait.ge [sflag:s3], $0x8000  }
0x261: {  	[sflag:s3] =	ssyncset.done $0x0  }
0x262: {  	[sflag:s3] =	ssyncadd.s32 $0xFFFF8000  }
0x263: {  	_ =	swait.ge [sflag:s3], $0x8000  }
0x264: {  	[sflag:s3] =	ssyncset.done $0x0  }
0x265: {  	[sflag:s3] =	ssyncadd.s32 $0xFFFF8000  }
0x266: {  	_ =	sfence.sel $0x180000  }
0x267: {  	[bflag:$0x0] =	sbarrier.arrive $0xFFFF  }
0x268: {  	_ =	strace $0x90000047  }
0x269: {  	s31 =	stileid.u32;
	[bflag:$0x2] =	sbarrier.arrive $0xFFFF  }
0x26a: {  	p0 =	sne.s32 s31, $0x0;
	s0 =	rddreg [dreg:$0x3]  }
0x26b: {  	s0 =	sadd.s32 @!p0 $0x100000, s0  }
0x26c: {  	[sflag:s0] =	ssyncadd.tile.s32 @!p0 $0x1;
	_ =	shalt  }
.Lfunc_end2:
_tile_overlayer_lowered:
.L_overlay_start_2:
0x26d: {  	(tag) =	ssettag $0x2  }
0x26e: {  	s0 =	rddreg [dreg:$0x0];
	s2 =	stileid.u32  }
0x26f: {  	s1 =	rddreg [dreg:$0x1];
	p0 =	sne.s32 s2, $0x0  }
0x270: {  	s3 =	rddreg [dreg:$0x2];
	[bflag:$0x3] =	sbarrier.arrive $0xFFFF;
	s2 =	simm.s32 @!p0 $0x1C06  }
0x271: {  	[timem:s3], [sflag:s2] =	dma.local @!p0 [hbm:s0], s1  }
0x272: {  	s0 =	simm.s32 @!p0 $0x6  }
0x273: {  	_ =	swait.ge @!p0 [sflag:s0], s1  }
0x274: {  	s1 =	ssub.s32 @!p0 $0x0, s1;
	[sflag:s0] =	ssyncset.done @!p0 $0x0  }
0x275: {  	[sflag:s0] =	ssyncadd.s32 @!p0 s1  }
0x276: {  	[bflag:$0x3] =	sbarrier.arrive $0xFFFF  }
0x277: {  	_ =	shalt  }

</sc_bundles>
